<compile_context>
chip_gen: v7x
topology: tpu7x:2x2x1
jax: 0.10.2.dev20260603
libtpu: 0.0.44.dev20260713+nightly
codegen_flags: <defaults>
</compile_context>

<pallas_src>
import functools

import jax
import jax.numpy as jnp
from jax import lax
from jax.experimental import pallas as pl
from jax.experimental.pallas import tpu as pltpu
from jax.experimental.pallas import tpu_sc as plsc

_B, _N, _CIN, _COUT, _K = 4, 8192, 128, 128, 16
_M = _N // 4
_EPS = 1e-5

_LANES = 128
_CS = 2048
_NCH = _N // _CS


def _fps_body(px_ref, py_ref, pz_ref, ox_ref, oy_ref, oz_ref, dist_ref):
    lanes = lax.broadcasted_iota(jnp.int32, (_B, _N), 1)
    cols = lax.broadcasted_iota(jnp.int32, (_B, _M), 1)
    px = px_ref[...]
    py = py_ref[...]
    pz = pz_ref[...]
    dist_ref[...] = jnp.full((_B, _N), jnp.inf, jnp.float32)
    ox_ref[...] = jnp.zeros((_B, _M), jnp.float32)
    oy_ref[...] = jnp.zeros((_B, _M), jnp.float32)
    oz_ref[...] = jnp.zeros((_B, _M), jnp.float32)

    def body(i, cur):
        msk = lanes == cur
        lx = jnp.max(jnp.where(msk, px, -jnp.inf), axis=1, keepdims=True)
        ly = jnp.max(jnp.where(msk, py, -jnp.inf), axis=1, keepdims=True)
        lz = jnp.max(jnp.where(msk, pz, -jnp.inf), axis=1, keepdims=True)
        sel = cols == i
        ox_ref[...] = jnp.where(sel, lx, ox_ref[...])
        oy_ref[...] = jnp.where(sel, ly, oy_ref[...])
        oz_ref[...] = jnp.where(sel, lz, oz_ref[...])
        dx = px - lx
        dy = py - ly
        dz = pz - lz
        d = (dx * dx + dz * dz) + dy * dy
        dist = jnp.minimum(dist_ref[...], d)
        dist_ref[...] = dist
        mx = jnp.max(dist, axis=1, keepdims=True)
        nxt = jnp.min(jnp.where(dist == mx, lanes, _N), axis=1, keepdims=True)
        return nxt.astype(jnp.int32)

    lax.fori_loop(0, _M, body, jnp.zeros((_B, 1), jnp.int32))


def _fps(px, py, pz):
    return pl.pallas_call(
        _fps_body,
        out_shape=[jax.ShapeDtypeStruct((_B, _M), jnp.float32)] * 3,
        scratch_shapes=[pltpu.VMEM((_B, _N), jnp.float32)],
    )(px, py, pz)


_MLP_BLK = 512
_MLP_STEPS = (_B * _N) // _MLP_BLK


def _mlp_body(x_ref, wt_ref, h_ref, stats_ref, acc_ref):
    i = pl.program_id(0)

    @pl.when(i == 0)
    def _():
        acc_ref[...] = jnp.zeros_like(acc_ref)

    h = jnp.dot(x_ref[...], wt_ref[...], preferred_element_type=jnp.float32)
    h_ref[...] = h
    acc_ref[0:1, :] += jnp.sum(h, axis=0, keepdims=True)
    acc_ref[1:2, :] += jnp.sum(h * h, axis=0, keepdims=True)

    @pl.when(i == _MLP_STEPS - 1)
    def _():
        stats_ref[...] = acc_ref[...]


def _mlp(xf, wt):
    return pl.pallas_call(
        _mlp_body,
        grid=(_MLP_STEPS,),
        in_specs=[
            pl.BlockSpec((_MLP_BLK, _CIN), lambda i: (i, 0)),
            pl.BlockSpec((_CIN, _COUT), lambda i: (0, 0)),
        ],
        out_specs=[
            pl.BlockSpec((_MLP_BLK, _COUT), lambda i: (i, 0)),
            pl.BlockSpec((8, _COUT), lambda i: (0, 0)),
        ],
        out_shape=[
            jax.ShapeDtypeStruct((_B * _N, _COUT), jnp.float32),
            jax.ShapeDtypeStruct((8, _COUT), jnp.float32),
        ],
        scratch_shapes=[pltpu.VMEM((8, _COUT), jnp.float32)],
    )(xf, wt)


def _bnrelu_body(h_ref, stats_ref, g_ref, b_ref, o_ref):
    cnt = jnp.float32(_B * _N)
    mean = stats_ref[0:1, :] / cnt
    var = stats_ref[1:2, :] / cnt - mean * mean
    scale = g_ref[...] / jnp.sqrt(var + _EPS)
    shift = b_ref[...] - mean * scale
    o_ref[...] = jnp.maximum(h_ref[...] * scale + shift, 0.0)


def _bnrelu(h, stats, g, b):
    return pl.pallas_call(
        _bnrelu_body,
        grid=(_MLP_STEPS,),
        in_specs=[
            pl.BlockSpec((_MLP_BLK, _COUT), lambda i: (i, 0)),
            pl.BlockSpec((8, _COUT), lambda i: (0, 0)),
            pl.BlockSpec((1, _COUT), lambda i: (0, 0)),
            pl.BlockSpec((1, _COUT), lambda i: (0, 0)),
        ],
        out_specs=pl.BlockSpec((_MLP_BLK, _COUT), lambda i: (i, 0)),
        out_shape=jax.ShapeDtypeStruct((_B * _N, _COUT), jnp.float32),
    )(h, stats, g, b)


def _knn_body(pxb_ref, pyb_ref, pzb_ref, ox_ref, oy_ref, oz_ref, ids_ref,
              d2_ref):
    b = pl.program_id(0)
    pox = ox_ref[0]
    poy = oy_ref[0]
    poz = oz_ref[0]

    rows_c = lax.broadcasted_iota(jnp.int32, (_CS, _LANES), 0)
    kio = lax.broadcasted_iota(jnp.int32, (_K, _LANES), 0)
    base = b * _N
    inf1 = jnp.full((1, _LANES), jnp.inf, jnp.float32)
    n1 = jnp.full((1, _LANES), _N, jnp.int32)

    def _combine(mn, am, cmn, cam):
        lt = cmn < mn
        eq = cmn == mn
        am2 = jnp.where(lt, cam, jnp.where(eq, jnp.minimum(am, cam), am))
        return jnp.minimum(mn, cmn), am2

    def _chunk_minarg(d2c, c):
        cmn = jnp.min(d2c, axis=0, keepdims=True)
        cand = jnp.where(d2c == cmn, rows_c + c * _CS, _N)
        cam = jnp.min(cand, axis=0, keepdims=True)
        return cmn, cam

    def fill(c, carry):
        mn, am = carry
        sl = pl.ds(c * _CS, _CS)
        dx = pxb_ref[0, sl, :] - pox
        dy = pyb_ref[0, sl, :] - poy
        dz = pzb_ref[0, sl, :] - poz
        d2 = (dx * dx + dz * dz) + dy * dy
        d2_ref[sl, :] = d2
        cmn, cam = _chunk_minarg(d2, c)
        return _combine(mn, am, cmn, cam)

    mn0, am0 = lax.fori_loop(0, _NCH, fill, (inf1, n1))
    ids0 = jnp.where(kio == 0, am0 + base, jnp.zeros((_K, _LANES), jnp.int32))

    def kpass(k, carry):
        mn, am, ids = carry

        def upass(c, carry2):
            mn2, am2 = carry2
            sl = pl.ds(c * _CS, _CS)
            hit = (rows_c + c * _CS) == am
            d2c = jnp.where(hit, jnp.inf, d2_ref[sl, :])
            d2_ref[sl, :] = d2c
            cmn, cam = _chunk_minarg(d2c, c)
            return _combine(mn2, am2, cmn, cam)

        mn, am = lax.fori_loop(0, _NCH, upass, (inf1, n1))
        ids = jnp.where(kio == k, am + base, ids)
        return mn, am, ids

    _, _, ids = lax.fori_loop(1, _K, kpass, (mn0, am0, ids0))
    ids_ref[0] = ids


def _knn(pxb, pyb, pzb, ox3, oy3, oz3):
    nblk = _M // _LANES
    po_spec = pl.BlockSpec((1, 1, _LANES), lambda b, j: (b, 0, j))
    pb_spec = pl.BlockSpec((1, _N, _LANES), lambda b, j: (b, 0, 0))
    return pl.pallas_call(
        _knn_body,
        grid=(_B, nblk),
        in_specs=[pb_spec, pb_spec, pb_spec, po_spec, po_spec, po_spec],
        out_specs=pl.BlockSpec((1, _K, _LANES), lambda b, j: (b, 0, j)),
        out_shape=jax.ShapeDtypeStruct((_B, _K, _M), jnp.int32),
        scratch_shapes=[pltpu.VMEM((_N, _LANES), jnp.float32)],
    )(pxb, pyb, pzb, ox3, oy3, oz3)


_SC_MCHUNK = 32
_SC_CHUNKS = (_B * _M) // _SC_MCHUNK
_SC_PER_W = _SC_CHUNKS // 32


def _gather_max(mlp_x, ids):
    info = plsc.get_sparse_core_info()
    nc = info.num_cores
    rows = _SC_MCHUNK * _K

    mesh = plsc.VectorSubcoreMesh(core_axis_name="c", subcore_axis_name="s")

    @functools.partial(
        pl.kernel,
        mesh=mesh,
        out_type=jax.ShapeDtypeStruct((_B * _M, _COUT), jnp.float32),
        scratch_types=[
            pltpu.VMEM((_K, 128), jnp.int32),
            pltpu.VMEM((rows,), jnp.int32),
            pltpu.VMEM((rows, _COUT), jnp.float32),
            pltpu.VMEM((_SC_MCHUNK, _COUT), jnp.float32),
            pltpu.SemaphoreType.DMA,
        ],
    )
    def k(mlp_hbm, ids_hbm, out_hbm, idx2_v, idx_v, rows_v, out_v, sem):
        wid = lax.axis_index("s") * nc + lax.axis_index("c")
        mpb = _M // _SC_MCHUNK
        grp = 128 // _SC_MCHUNK

        def group_body(gq, _):
            cid0 = wid * _SC_PER_W + gq * grp
            b = cid0 // mpb
            mo = (cid0 % mpb) * _SC_MCHUNK
            pltpu.sync_copy(ids_hbm.at[b, :, pl.ds(mo, 128)], idx2_v)

            def sub_body(s, _):
                for kk in range(_K):
                    for j in range(_SC_MCHUNK // 16):
                        idx_v[pl.ds(kk * _SC_MCHUNK + j * 16, 16)] = (
                            idx2_v[kk, pl.ds(s * _SC_MCHUNK + j * 16, 16)])
                pltpu.async_copy(mlp_hbm.at[idx_v], rows_v, sem).wait()

                def m_body(m, _):
                    def c_body(c, _):
                        sl = pl.ds(c * 16, 16)
                        acc = rows_v[m, sl]
                        for kk in range(1, _K):
                            acc = jnp.maximum(
                                acc, rows_v[kk * _SC_MCHUNK + m, sl])
                        out_v[m, sl] = acc
                        return 0

                    lax.fori_loop(0, _COUT // 16, c_body, 0)
                    return 0

                lax.fori_loop(0, _SC_MCHUNK, m_body, 0)
                pltpu.sync_copy(
                    out_v,
                    out_hbm.at[pl.ds((cid0 + s) * _SC_MCHUNK, _SC_MCHUNK)])
                return 0

            lax.fori_loop(0, grp, sub_body, 0)
            return 0

        lax.fori_loop(0, _SC_PER_W // grp, group_body, 0)

    return k(mlp_x, ids)


def kernel(x, p, W, gamma, beta):
    px = p[:, :, 0]
    py = p[:, :, 1]
    pz = p[:, :, 2]
    ox, oy, oz = _fps(px, py, pz)
    p_out = jnp.stack([ox, oy, oz], axis=-1)

    xf = x.reshape(_B * _N, _CIN)
    h, stats = _mlp(xf, W.T)
    mlp_x = _bnrelu(h, stats, gamma.reshape(1, _COUT), beta.reshape(1, _COUT))

    pxb = jnp.broadcast_to(px[:, :, None], (_B, _N, _LANES))
    pyb = jnp.broadcast_to(py[:, :, None], (_B, _N, _LANES))
    pzb = jnp.broadcast_to(pz[:, :, None], (_B, _N, _LANES))
    ids = _knn(pxb, pyb, pzb,
               ox.reshape(_B, 1, _M), oy.reshape(_B, 1, _M),
               oz.reshape(_B, 1, _M))

    y = _gather_max(mlp_x, ids)
    return y.reshape(_B, _M, _COUT), p_out

# --- scband reference (transcript-rebuilt; emitter-appended) ---
"""Pipeline reference for scband-transition-down-1400159339077 (READ-ONLY COPY).

The authoritative reference and input builder live on the scoring server;
editing this copy changes nothing except your own understanding.
"""

import jax, jax.numpy as jnp
import numpy as np

B, N, CIN, COUT, K, RATIO = 4, 8192, 128, 128, 16, 0.25
EPS = 1e-5


def setup_inputs(seed: int = 0) -> dict:
    key = jax.random.key(seed)
    k1, k2, k3 = jax.random.split(key, 3)
    x = jax.random.normal(k1, (B, N, CIN), dtype=jnp.float32)
    p = jax.random.uniform(k2, (B, N, 3), dtype=jnp.float32)
    # Conv1d(kernel_size=1, bias=False) weight -> [out_channels, in_channels]
    W = jax.random.normal(k3, (COUT, CIN), dtype=jnp.float32) * (1.0 / np.sqrt(CIN))
    gamma = jnp.ones((COUT,), dtype=jnp.float32)
    beta = jnp.zeros((COUT,), dtype=jnp.float32)
    return {"x": x, "p": p, "W": W, "gamma": gamma, "beta": beta}


def _farthest_point_sampling(p, M):
    # deterministic start at index 0 (torch_cluster fps uses random_start)
    b, n, _ = p.shape
    idx0 = jnp.zeros((b, M), dtype=jnp.int32)
    dist0 = jnp.full((b, n), jnp.inf, dtype=jnp.float32)

    def body(i, state):
        dist, idx = state
        last = idx[:, i - 1]
        last_pt = jnp.take_along_axis(p, last[:, None, None], axis=1)  # [B,1,3]
        d = jnp.sum((p - last_pt) ** 2, axis=-1)  # [B,N]
        dist = jnp.minimum(dist, d)
        nxt = jnp.argmax(dist, axis=1).astype(jnp.int32)
        idx = idx.at[:, i].set(nxt)
        return (dist, idx)

    _, idx = jax.lax.fori_loop(1, M, body, (dist0, idx0))
    return idx  # [B,M]


def reference(x, p, W, gamma, beta):
    M = int(N * RATIO)
    # farthest point sampling -> sampled coordinates
    fps_idx = _farthest_point_sampling(p, M)
    p_out = jnp.take_along_axis(p, fps_idx[..., None], axis=1)  # [B,M,3]
    # knn_points(p_out, p, K, return_sorted=True): brute-force sq. distances
    d2 = jnp.sum((p_out[:, :, None, :] - p[:, None, :, :]) ** 2, axis=-1)  # [B,M,N]
    neg_d, neighbors = jax.lax.top_k(-d2, K)  # sorted ascending distance
    # mlp: Conv1d(k=1, bias=False) -> BatchNorm1d (training stats) -> ReLU
    h = jnp.einsum("bnc,oc->bno", x, W)  # [B,N,COUT]
    mean = jnp.mean(h, axis=(0, 1))
    var = jnp.var(h, axis=(0, 1))
    hn = (h - mean) / jnp.sqrt(var + EPS) * gamma + beta
    mlp_x = jax.nn.relu(hn)  # [B,N,COUT]
    # index_points: gather neighbor features
    nb_flat = neighbors.reshape(B, M * K)
    feats = jnp.take_along_axis(mlp_x, nb_flat[..., None], axis=1).reshape(B, M, K, COUT)
    # local max pooling over K neighbors
    y = jnp.max(feats, axis=2)  # [B,M,COUT]
    return (y, p_out)

if __name__ == "__main__":
    import jax
    _d = setup_inputs()
    print(jax.jit(kernel)(*tuple(_d.values())))

</pallas_src>

<mosaic_0001>
#map = affine_map<(d0, d1) -> (0, 0)>
#map1 = affine_map<(d0, d1) -> (0, 0, 0)>
module attributes {stable_mosaic.version = 14 : i64} {
  func.func @k(%arg0: i32, %arg1: i32, %arg2: memref<32768x128xf32, #tpu.memory_space<hbm>>, %arg3: memref<4x16x2048xi32, #tpu.memory_space<hbm>>, %arg4: memref<8192x128xf32, #tpu.memory_space<hbm>>, %arg5: memref<16x128xi32, #tpu.memory_space<vmem>>, %arg6: memref<512xi32, #tpu.memory_space<vmem>>, %arg7: memref<512x128xf32, #tpu.memory_space<vmem>>, %arg8: memref<32x128xf32, #tpu.memory_space<vmem>>, %arg9: memref<!tpu.dma_semaphore, #tpu.memory_space<semaphore_mem>>) attributes {dimension_semantics = [#tpu.dimension_semantics<core_parallel>, #tpu.dimension_semantics<subcore_parallel>], iteration_bounds = array<i64: 2, 16>, scalar_prefetch = 0 : i64, scratch_operands = 5 : i64, tpu.core_type = #tpu.core_type<sc_vector_subcore>, window_params = [{transform_indices = #map}, {transform_indices = #map1}, {transform_indices = #map}]} {
    %mul3A = arith.constant 2 : i32
    %mul3A_0 = arith.muli %arg1, %mul3A : i32
    %add3A = arith.addi %mul3A_0, %arg0 : i32
    %scan3A = arith.constant 0 : i32
    %scan3A_1 = arith.constant 0 : i32
    %scan3A_2 = arith.constant 2 : i32
    %scan3A_3 = arith.addi %scan3A_1, %scan3A_2 : i32
    %scan3A_4 = arith.constant 1 : i32
    %scan3A_5 = scf.for %scan3A_7 = %scan3A_1 to %scan3A_3 step %scan3A_4 iter_args(%scan3A_8 = %scan3A) -> (i32)  : i32 {
      %mul3A_9 = arith.constant 8 : i32
      %mul3A_10 = arith.muli %add3A, %mul3A_9 : i32
      %mul3A_11 = arith.constant 4 : i32
      %mul3A_12 = arith.muli %scan3A_7, %mul3A_11 : i32
      %add3A_13 = arith.addi %mul3A_10, %mul3A_12 : i32
      %jit3A = arith.constant 64 : i32
      %div3A = arith.divsi %add3A_13, %jit3A : i32
      %sign3A = arith.constant 0 : i32
      %sign3A_14 = arith.cmpi sgt, %add3A_13, %sign3A : i32
      %sign3A_15 = arith.extui %sign3A_14 : i1 to i32
      %sign3A_16 = arith.constant 0 : i32
      %sign3A_17 = arith.cmpi slt, %add3A_13, %sign3A_16 : i32
      %sign3A_18 = arith.extui %sign3A_17 : i1 to i32
      %sign3A_19 = arith.subi %sign3A_15, %sign3A_18 : i32
      %sign3A_20 = arith.constant 0 : i32
      %sign3A_21 = arith.cmpi sgt, %jit3A, %sign3A_20 : i32
      %sign3A_22 = arith.extui %sign3A_21 : i1 to i32
      %sign3A_23 = arith.constant 0 : i32
      %sign3A_24 = arith.cmpi slt, %jit3A, %sign3A_23 : i32
      %sign3A_25 = arith.extui %sign3A_24 : i1 to i32
      %sign3A_26 = arith.subi %sign3A_22, %sign3A_25 : i32
      %ne3A = arith.cmpi ne, %sign3A_19, %sign3A_26 : i32
      %rem3A = arith.remsi %add3A_13, %jit3A : i32
      %ne3A_27 = arith.constant 0 : i32
      %ne3A_28 = arith.cmpi ne, %rem3A, %ne3A_27 : i32
      %and3A = arith.andi %ne3A, %ne3A_28 : i1
      %sub3A = arith.constant 1 : i32
      %sub3A_29 = arith.subi %div3A, %sub3A : i32
      %select_n3A = arith.select %and3A, %sub3A_29, %div3A : i32
      %jit3A_30 = arith.constant 64 : i32
      %eq3A = arith.constant 0 : i32
      %eq3A_31 = arith.cmpi eq, %jit3A_30, %eq3A : i32
      %jit3A_32 = arith.constant 1 : i32
      %select_n3A_33 = arith.select %eq3A_31, %jit3A_32, %jit3A_30 : i32
      %rem3A_34 = arith.remsi %add3A_13, %select_n3A_33 : i32
      %ne3A_35 = arith.constant 0 : i32
      %ne3A_36 = arith.cmpi ne, %rem3A_34, %ne3A_35 : i32
      %lt3A = arith.constant 0 : i32
      %lt3A_37 = arith.cmpi slt, %rem3A_34, %lt3A : i32
      %lt3A_38 = arith.constant 0 : i32
      %lt3A_39 = arith.cmpi slt, %select_n3A_33, %lt3A_38 : i32
      %ne3A_40 = arith.xori %lt3A_37, %lt3A_39 : i1
      %and3A_41 = arith.andi %ne3A_40, %ne3A_36 : i1
      %add3A_42 = arith.addi %rem3A_34, %select_n3A_33 : i32
      %select_n3A_43 = arith.select %and3A_41, %add3A_42, %rem3A_34 : i32
      %mul3A_44 = arith.constant 32 : i32
      %mul3A_45 = arith.muli %select_n3A_43, %mul3A_44 : i32
      "tpu.region"() ({
        %run_scoped3A = tpu.sem_alloc : memref<!tpu.dma_semaphore, #tpu.memory_space<semaphore_mem>>
        %dma_start3A = arith.constant 0 : i32
        %dma_start3A_54 = tpu.memref_slice %arg3[%select_n3A, %dma_start3A, %mul3A_45] : memref<4x16x2048xi32, #tpu.memory_space<hbm>> -> memref<1x16x128xi32, #tpu.memory_space<hbm>>
        %dma_start3A_55 = tpu.memref_squeeze %dma_start3A_54 : memref<1x16x128xi32, #tpu.memory_space<hbm>> -> memref<16x128xi32, #tpu.memory_space<hbm>>
        %dma_start3A_56 = arith.constant 0 : i32
        %dma_start3A_57 = tpu.memref_slice %arg3[%select_n3A, %dma_start3A_56, %mul3A_45] : memref<4x16x2048xi32, #tpu.memory_space<hbm>> -> memref<1x16x128xi32, #tpu.memory_space<hbm>>
        %dma_start3A_58 = tpu.memref_squeeze %dma_start3A_57 : memref<1x16x128xi32, #tpu.memory_space<hbm>> -> memref<16x128xi32, #tpu.memory_space<hbm>>
        tpu.enqueue_dma source(%dma_start3A_58 : memref<16x128xi32, #tpu.memory_space<hbm>>) target(%arg5 : memref<16x128xi32, #tpu.memory_space<vmem>>) target_semaphore(%run_scoped3A : memref<!tpu.dma_semaphore, #tpu.memory_space<semaphore_mem>>)
        %dma_wait3A = arith.constant 0 : i32
        %dma_wait3A_59 = tpu.memref_slice %arg3[%select_n3A, %dma_wait3A, %mul3A_45] : memref<4x16x2048xi32, #tpu.memory_space<hbm>> -> memref<1x16x128xi32, #tpu.memory_space<hbm>>
        %dma_wait3A_60 = tpu.memref_squeeze %dma_wait3A_59 : memref<1x16x128xi32, #tpu.memory_space<hbm>> -> memref<16x128xi32, #tpu.memory_space<hbm>>
        %dma_wait3A_61 = arith.constant 0 : i32
        %dma_wait3A_62 = tpu.memref_slice %arg3[%select_n3A, %dma_wait3A_61, %mul3A_45] : memref<4x16x2048xi32, #tpu.memory_space<hbm>> -> memref<1x16x128xi32, #tpu.memory_space<hbm>>
        %dma_wait3A_63 = tpu.memref_squeeze %dma_wait3A_62 : memref<1x16x128xi32, #tpu.memory_space<hbm>> -> memref<16x128xi32, #tpu.memory_space<hbm>>
        tpu.wait_dma2 semaphore(%run_scoped3A : memref<!tpu.dma_semaphore, #tpu.memory_space<semaphore_mem>>) src(%dma_wait3A_63 : memref<16x128xi32, #tpu.memory_space<hbm>>) dst(%arg5 : memref<16x128xi32, #tpu.memory_space<vmem>>)
        tpu.yield
      }) : () -> ()
      %scan3A_46 = arith.constant 0 : i32
      %scan3A_47 = arith.constant 0 : i32
      %scan3A_48 = arith.constant 4 : i32
      %scan3A_49 = arith.addi %scan3A_47, %scan3A_48 : i32
      %scan3A_50 = arith.constant 1 : i32
      %scan3A_51 = scf.for %scan3A_54 = %scan3A_47 to %scan3A_49 step %scan3A_50 iter_args(%scan3A_55 = %scan3A_46) -> (i32)  : i32 {
        %mul3A_56 = arith.constant 32 : i32
        %mul3A_57 = arith.muli %scan3A_54, %mul3A_56 : i32
        %add3A_58 = arith.constant 0 : i32
        %add3A_59 = arith.addi %mul3A_57, %add3A_58 : i32
        %get3A = arith.constant 0 : i32
        %get3A_60 = arith.index_cast %get3A : i32 to index
        %get3A_61 = arith.index_cast %add3A_59 : i32 to index
        %get3A_62 = tpu.vector_load %arg5[%get3A_60, %get3A_61] {strides = array<i32>} : memref<16x128xi32, #tpu.memory_space<vmem>>, vector<1x16xi32>,
        %get3A_63 = vector.shape_cast %get3A_62 : vector<1x16xi32> to vector<16xi32>
        %swap3A = arith.constant 0 : index
        %swap3A_64 = tpu.vector_load %arg6[%swap3A] {strides = array<i32>} : memref<512xi32, #tpu.memory_space<vmem>>, vector<16xi32>,
        %swap3A_65 = vector.shape_cast %swap3A_64 : vector<16xi32> to vector<16xi32>
        %swap3A_66 = vector.shape_cast %get3A_63 : vector<16xi32> to vector<16xi32>
        tpu.vector_store %arg6[%swap3A], %swap3A_66 {strides = array<i32>} : memref<512xi32, #tpu.memory_space<vmem>>, vector<16xi32>,
        %mul3A_67 = arith.constant 32 : i32
        %mul3A_68 = arith.muli %scan3A_54, %mul3A_67 : i32
        %add3A_69 = arith.constant 16 : i32
        %add3A_70 = arith.addi %mul3A_68, %add3A_69 : i32
        %get3A_71 = arith.constant 0 : i32
        %get3A_72 = arith.index_cast %get3A_71 : i32 to index
        %get3A_73 = arith.index_cast %add3A_70 : i32 to index
        %get3A_74 = tpu.vector_load %arg5[%get3A_72, %get3A_73] {strides = array<i32>} : memref<16x128xi32, #tpu.memory_space<vmem>>, vector<1x16xi32>,
        %get3A_75 = vector.shape_cast %get3A_74 : vector<1x16xi32> to vector<16xi32>
        %swap3A_76 = arith.constant 16 : index
        %swap3A_77 = tpu.vector_load %arg6[%swap3A_76] {strides = array<i32>} : memref<512xi32, #tpu.memory_space<vmem>>, vector<16xi32>,
        %swap3A_78 = vector.shape_cast %swap3A_77 : vector<16xi32> to vector<16xi32>
        %swap3A_79 = vector.shape_cast %get3A_75 : vector<16xi32> to vector<16xi32>
        tpu.vector_store %arg6[%swap3A_76], %swap3A_79 {strides = array<i32>} : memref<512xi32, #tpu.memory_space<vmem>>, vector<16xi32>,
        %mul3A_80 = arith.constant 32 : i32
        %mul3A_81 = arith.muli %scan3A_54, %mul3A_80 : i32
        %add3A_82 = arith.constant 0 : i32
        %add3A_83 = arith.addi %mul3A_81, %add3A_82 : i32
        %get3A_84 = arith.constant 1 : i32
        %get3A_85 = arith.index_cast %get3A_84 : i32 to index
        %get3A_86 = arith.index_cast %add3A_83 : i32 to index
        %get3A_87 = tpu.vector_load %arg5[%get3A_85, %get3A_86] {strides = array<i32>} : memref<16x128xi32, #tpu.memory_space<vmem>>, vector<1x16xi32>,
        %get3A_88 = vector.shape_cast %get3A_87 : vector<1x16xi32> to vector<16xi32>
        %swap3A_89 = arith.constant 32 : index
        %swap3A_90 = tpu.vector_load %arg6[%swap3A_89] {strides = array<i32>} : memref<512xi32, #tpu.memory_space<vmem>>, vector<16xi32>,
        %swap3A_91 = vector.shape_cast %swap3A_90 : vector<16xi32> to vector<16xi32>
        %swap3A_92 = vector.shape_cast %get3A_88 : vector<16xi32> to vector<16xi32>
        tpu.vector_store %arg6[%swap3A_89], %swap3A_92 {strides = array<i32>} : memref<512xi32, #tpu.memory_space<vmem>>, vector<16xi32>,
        %mul3A_93 = arith.constant 32 : i32
        %mul3A_94 = arith.muli %scan3A_54, %mul3A_93 : i32
        %add3A_95 = arith.constant 16 : i32
        %add3A_96 = arith.addi %mul3A_94, %add3A_95 : i32
        %get3A_97 = arith.constant 1 : i32
        %get3A_98 = arith.index_cast %get3A_97 : i32 to index
        %get3A_99 = arith.index_cast %add3A_96 : i32 to index
        %get3A_100 = tpu.vector_load %arg5[%get3A_98, %get3A_99] {strides = array<i32>} : memref<16x128xi32, #tpu.memory_space<vmem>>, vector<1x16xi32>,
        %get3A_101 = vector.shape_cast %get3A_100 : vector<1x16xi32> to vector<16xi32>
        %swap3A_102 = arith.constant 48 : index
        %swap3A_103 = tpu.vector_load %arg6[%swap3A_102] {strides = array<i32>} : memref<512xi32, #tpu.memory_space<vmem>>, vector<16xi32>,
        %swap3A_104 = vector.shape_cast %swap3A_103 : vector<16xi32> to vector<16xi32>
        %swap3A_105 = vector.shape_cast %get3A_101 : vector<16xi32> to vector<16xi32>
        tpu.vector_store %arg6[%swap3A_102], %swap3A_105 {strides = array<i32>} : memref<512xi32, #tpu.memory_space<vmem>>, vector<16xi32>,
        %mul3A_106 = arith.constant 32 : i32
        %mul3A_107 = arith.muli %scan3A_54, %mul3A_106 : i32
        %add3A_108 = arith.constant 0 : i32
        %add3A_109 = arith.addi %mul3A_107, %add3A_108 : i32
        %get3A_110 = arith.constant 2 : i32
        %get3A_111 = arith.index_cast %get3A_110 : i32 to index
        %get3A_112 = arith.index_cast %add3A_109 : i32 to index
        %get3A_113 = tpu.vector_load %arg5[%get3A_111, %get3A_112] {strides = array<i32>} : memref<16x128xi32, #tpu.memory_space<vmem>>, vector<1x16xi32>,
        %get3A_114 = vector.shape_cast %get3A_113 : vector<1x16xi32> to vector<16xi32>
        %swap3A_115 = arith.constant 64 : index
        %swap3A_116 = tpu.vector_load %arg6[%swap3A_115] {strides = array<i32>} : memref<512xi32, #tpu.memory_space<vmem>>, vector<16xi32>,
        %swap3A_117 = vector.shape_cast %swap3A_116 : vector<16xi32> to vector<16xi32>
        %swap3A_118 = vector.shape_cast %get3A_114 : vector<16xi32> to vector<16xi32>
        tpu.vector_store %arg6[%swap3A_115], %swap3A_118 {strides = array<i32>} : memref<512xi32, #tpu.memory_space<vmem>>, vector<16xi32>,
        %mul3A_119 = arith.constant 32 : i32
        %mul3A_120 = arith.muli %scan3A_54, %mul3A_119 : i32
        %add3A_121 = arith.constant 16 : i32
        %add3A_122 = arith.addi %mul3A_120, %add3A_121 : i32
        %get3A_123 = arith.constant 2 : i32
        %get3A_124 = arith.index_cast %get3A_123 : i32 to index
        %get3A_125 = arith.index_cast %add3A_122 : i32 to index
        %get3A_126 = tpu.vector_load %arg5[%get3A_124, %get3A_125] {strides = array<i32>} : memref<16x128xi32, #tpu.memory_space<vmem>>, vector<1x16xi32>,
        %get3A_127 = vector.shape_cast %get3A_126 : vector<1x16xi32> to vector<16xi32>
        %swap3A_128 = arith.constant 80 : index
        %swap3A_129 = tpu.vector_load %arg6[%swap3A_128] {strides = array<i32>} : memref<512xi32, #tpu.memory_space<vmem>>, vector<16xi32>,
        %swap3A_130 = vector.shape_cast %swap3A_129 : vector<16xi32> to vector<16xi32>
        %swap3A_131 = vector.shape_cast %get3A_127 : vector<16xi32> to vector<16xi32>
        tpu.vector_store %arg6[%swap3A_128], %swap3A_131 {strides = array<i32>} : memref<512xi32, #tpu.memory_space<vmem>>, vector<16xi32>,
        %mul3A_132 = arith.constant 32 : i32
        %mul3A_133 = arith.muli %scan3A_54, %mul3A_132 : i32
        %add3A_134 = arith.constant 0 : i32
        %add3A_135 = arith.addi %mul3A_133, %add3A_134 : i32
        %get3A_136 = arith.constant 3 : i32
        %get3A_137 = arith.index_cast %get3A_136 : i32 to index
        %get3A_138 = arith.index_cast %add3A_135 : i32 to index
        %get3A_139 = tpu.vector_load %arg5[%get3A_137, %get3A_138] {strides = array<i32>} : memref<16x128xi32, #tpu.memory_space<vmem>>, vector<1x16xi32>,
        %get3A_140 = vector.shape_cast %get3A_139 : vector<1x16xi32> to vector<16xi32>
        %swap3A_141 = arith.constant 96 : index
        %swap3A_142 = tpu.vector_load %arg6[%swap3A_141] {strides = array<i32>} : memref<512xi32, #tpu.memory_space<vmem>>, vector<16xi32>,
        %swap3A_143 = vector.shape_cast %swap3A_142 : vector<16xi32> to vector<16xi32>
        %swap3A_144 = vector.shape_cast %get3A_140 : vector<16xi32> to vector<16xi32>
        tpu.vector_store %arg6[%swap3A_141], %swap3A_144 {strides = array<i32>} : memref<512xi32, #tpu.memory_space<vmem>>, vector<16xi32>,
        %mul3A_145 = arith.constant 32 : i32
        %mul3A_146 = arith.muli %scan3A_54, %mul3A_145 : i32
        %add3A_147 = arith.constant 16 : i32
        %add3A_148 = arith.addi %mul3A_146, %add3A_147 : i32
        %get3A_149 = arith.constant 3 : i32
        %get3A_150 = arith.index_cast %get3A_149 : i32 to index
        %get3A_151 = arith.index_cast %add3A_148 : i32 to index
        %get3A_152 = tpu.vector_load %arg5[%get3A_150, %get3A_151] {strides = array<i32>} : memref<16x128xi32, #tpu.memory_space<vmem>>, vector<1x16xi32>,
        %get3A_153 = vector.shape_cast %get3A_152 : vector<1x16xi32> to vector<16xi32>
        %swap3A_154 = arith.constant 112 : index
        %swap3A_155 = tpu.vector_load %arg6[%swap3A_154] {strides = array<i32>} : memref<512xi32, #tpu.memory_space<vmem>>, vector<16xi32>,
        %swap3A_156 = vector.shape_cast %swap3A_155 : vector<16xi32> to vector<16xi32>
        %swap3A_157 = vector.shape_cast %get3A_153 : vector<16xi32> to vector<16xi32>
        tpu.vector_store %arg6[%swap3A_154], %swap3A_157 {strides = array<i32>} : memref<512xi32, #tpu.memory_space<vmem>>, vector<16xi32>,
        %mul3A_158 = arith.constant 32 : i32
        %mul3A_159 = arith.muli %scan3A_54, %mul3A_158 : i32
        %add3A_160 = arith.constant 0 : i32
        %add3A_161 = arith.addi %mul3A_159, %add3A_160 : i32
        %get3A_162 = arith.constant 4 : i32
        %get3A_163 = arith.index_cast %get3A_162 : i32 to index
        %get3A_164 = arith.index_cast %add3A_161 : i32 to index
        %get3A_165 = tpu.vector_load %arg5[%get3A_163, %get3A_164] {strides = array<i32>} : memref<16x128xi32, #tpu.memory_space<vmem>>, vector<1x16xi32>,
        %get3A_166 = vector.shape_cast %get3A_165 : vector<1x16xi32> to vector<16xi32>
        %swap3A_167 = arith.constant 128 : index
        %swap3A_168 = tpu.vector_load %arg6[%swap3A_167] {strides = array<i32>} : memref<512xi32, #tpu.memory_space<vmem>>, vector<16xi32>,
        %swap3A_169 = vector.shape_cast %swap3A_168 : vector<16xi32> to vector<16xi32>
        %swap3A_170 = vector.shape_cast %get3A_166 : vector<16xi32> to vector<16xi32>
        tpu.vector_store %arg6[%swap3A_167], %swap3A_170 {strides = array<i32>} : memref<512xi32, #tpu.memory_space<vmem>>, vector<16xi32>,
        %mul3A_171 = arith.constant 32 : i32
        %mul3A_172 = arith.muli %scan3A_54, %mul3A_171 : i32
        %add3A_173 = arith.constant 16 : i32
        %add3A_174 = arith.addi %mul3A_172, %add3A_173 : i32
        %get3A_175 = arith.constant 4 : i32
        %get3A_176 = arith.index_cast %get3A_175 : i32 to index
        %get3A_177 = arith.index_cast %add3A_174 : i32 to index
        %get3A_178 = tpu.vector_load %arg5[%get3A_176, %get3A_177] {strides = array<i32>} : memref<16x128xi32, #tpu.memory_space<vmem>>, vector<1x16xi32>,
        %get3A_179 = vector.shape_cast %get3A_178 : vector<1x16xi32> to vector<16xi32>
        %swap3A_180 = arith.constant 144 : index
        %swap3A_181 = tpu.vector_load %arg6[%swap3A_180] {strides = array<i32>} : memref<512xi32, #tpu.memory_space<vmem>>, vector<16xi32>,
        %swap3A_182 = vector.shape_cast %swap3A_181 : vector<16xi32> to vector<16xi32>
        %swap3A_183 = vector.shape_cast %get3A_179 : vector<16xi32> to vector<16xi32>
        tpu.vector_store %arg6[%swap3A_180], %swap3A_183 {strides = array<i32>} : memref<512xi32, #tpu.memory_space<vmem>>, vector<16xi32>,
        %mul3A_184 = arith.constant 32 : i32
        %mul3A_185 = arith.muli %scan3A_54, %mul3A_184 : i32
        %add3A_186 = arith.constant 0 : i32
        %add3A_187 = arith.addi %mul3A_185, %add3A_186 : i32
        %get3A_188 = arith.constant 5 : i32
        %get3A_189 = arith.index_cast %get3A_188 : i32 to index
        %get3A_190 = arith.index_cast %add3A_187 : i32 to index
        %get3A_191 = tpu.vector_load %arg5[%get3A_189, %get3A_190] {strides = array<i32>} : memref<16x128xi32, #tpu.memory_space<vmem>>, vector<1x16xi32>,
        %get3A_192 = vector.shape_cast %get3A_191 : vector<1x16xi32> to vector<16xi32>
        %swap3A_193 = arith.constant 160 : index
        %swap3A_194 = tpu.vector_load %arg6[%swap3A_193] {strides = array<i32>} : memref<512xi32, #tpu.memory_space<vmem>>, vector<16xi32>,
        %swap3A_195 = vector.shape_cast %swap3A_194 : vector<16xi32> to vector<16xi32>
        %swap3A_196 = vector.shape_cast %get3A_192 : vector<16xi32> to vector<16xi32>
        tpu.vector_store %arg6[%swap3A_193], %swap3A_196 {strides = array<i32>} : memref<512xi32, #tpu.memory_space<vmem>>, vector<16xi32>,
        %mul3A_197 = arith.constant 32 : i32
        %mul3A_198 = arith.muli %scan3A_54, %mul3A_197 : i32
        %add3A_199 = arith.constant 16 : i32
        %add3A_200 = arith.addi %mul3A_198, %add3A_199 : i32
        %get3A_201 = arith.constant 5 : i32
        %get3A_202 = arith.index_cast %get3A_201 : i32 to index
        %get3A_203 = arith.index_cast %add3A_200 : i32 to index
        %get3A_204 = tpu.vector_load %arg5[%get3A_202, %get3A_203] {strides = array<i32>} : memref<16x128xi32, #tpu.memory_space<vmem>>, vector<1x16xi32>,
        %get3A_205 = vector.shape_cast %get3A_204 : vector<1x16xi32> to vector<16xi32>
        %swap3A_206 = arith.constant 176 : index
        %swap3A_207 = tpu.vector_load %arg6[%swap3A_206] {strides = array<i32>} : memref<512xi32, #tpu.memory_space<vmem>>, vector<16xi32>,
        %swap3A_208 = vector.shape_cast %swap3A_207 : vector<16xi32> to vector<16xi32>
        %swap3A_209 = vector.shape_cast %get3A_205 : vector<16xi32> to vector<16xi32>
        tpu.vector_store %arg6[%swap3A_206], %swap3A_209 {strides = array<i32>} : memref<512xi32, #tpu.memory_space<vmem>>, vector<16xi32>,
        %mul3A_210 = arith.constant 32 : i32
        %mul3A_211 = arith.muli %scan3A_54, %mul3A_210 : i32
        %add3A_212 = arith.constant 0 : i32
        %add3A_213 = arith.addi %mul3A_211, %add3A_212 : i32
        %get3A_214 = arith.constant 6 : i32
        %get3A_215 = arith.index_cast %get3A_214 : i32 to index
        %get3A_216 = arith.index_cast %add3A_213 : i32 to index
        %get3A_217 = tpu.vector_load %arg5[%get3A_215, %get3A_216] {strides = array<i32>} : memref<16x128xi32, #tpu.memory_space<vmem>>, vector<1x16xi32>,
        %get3A_218 = vector.shape_cast %get3A_217 : vector<1x16xi32> to vector<16xi32>
        %swap3A_219 = arith.constant 192 : index
        %swap3A_220 = tpu.vector_load %arg6[%swap3A_219] {strides = array<i32>} : memref<512xi32, #tpu.memory_space<vmem>>, vector<16xi32>,
        %swap3A_221 = vector.shape_cast %swap3A_220 : vector<16xi32> to vector<16xi32>
        %swap3A_222 = vector.shape_cast %get3A_218 : vector<16xi32> to vector<16xi32>
        tpu.vector_store %arg6[%swap3A_219], %swap3A_222 {strides = array<i32>} : memref<512xi32, #tpu.memory_space<vmem>>, vector<16xi32>,
        %mul3A_223 = arith.constant 32 : i32
        %mul3A_224 = arith.muli %scan3A_54, %mul3A_223 : i32
        %add3A_225 = arith.constant 16 : i32
        %add3A_226 = arith.addi %mul3A_224, %add3A_225 : i32
        %get3A_227 = arith.constant 6 : i32
        %get3A_228 = arith.index_cast %get3A_227 : i32 to index
        %get3A_229 = arith.index_cast %add3A_226 : i32 to index
        %get3A_230 = tpu.vector_load %arg5[%get3A_228, %get3A_229] {strides = array<i32>} : memref<16x128xi32, #tpu.memory_space<vmem>>, vector<1x16xi32>,
        %get3A_231 = vector.shape_cast %get3A_230 : vector<1x16xi32> to vector<16xi32>
        %swap3A_232 = arith.constant 208 : index
        %swap3A_233 = tpu.vector_load %arg6[%swap3A_232] {strides = array<i32>} : memref<512xi32, #tpu.memory_space<vmem>>, vector<16xi32>,
        %swap3A_234 = vector.shape_cast %swap3A_233 : vector<16xi32> to vector<16xi32>
        %swap3A_235 = vector.shape_cast %get3A_231 : vector<16xi32> to vector<16xi32>
        tpu.vector_store %arg6[%swap3A_232], %swap3A_235 {strides = array<i32>} : memref<512xi32, #tpu.memory_space<vmem>>, vector<16xi32>,
        %mul3A_236 = arith.constant 32 : i32
        %mul3A_237 = arith.muli %scan3A_54, %mul3A_236 : i32
        %add3A_238 = arith.constant 0 : i32
        %add3A_239 = arith.addi %mul3A_237, %add3A_238 : i32
        %get3A_240 = arith.constant 7 : i32
        %get3A_241 = arith.index_cast %get3A_240 : i32 to index
        %get3A_242 = arith.index_cast %add3A_239 : i32 to index
        %get3A_243 = tpu.vector_load %arg5[%get3A_241, %get3A_242] {strides = array<i32>} : memref<16x128xi32, #tpu.memory_space<vmem>>, vector<1x16xi32>,
        %get3A_244 = vector.shape_cast %get3A_243 : vector<1x16xi32> to vector<16xi32>
        %swap3A_245 = arith.constant 224 : index
        %swap3A_246 = tpu.vector_load %arg6[%swap3A_245] {strides = array<i32>} : memref<512xi32, #tpu.memory_space<vmem>>, vector<16xi32>,
        %swap3A_247 = vector.shape_cast %swap3A_246 : vector<16xi32> to vector<16xi32>
        %swap3A_248 = vector.shape_cast %get3A_244 : vector<16xi32> to vector<16xi32>
        tpu.vector_store %arg6[%swap3A_245], %swap3A_248 {strides = array<i32>} : memref<512xi32, #tpu.memory_space<vmem>>, vector<16xi32>,
        %mul3A_249 = arith.constant 32 : i32
        %mul3A_250 = arith.muli %scan3A_54, %mul3A_249 : i32
        %add3A_251 = arith.constant 16 : i32
        %add3A_252 = arith.addi %mul3A_250, %add3A_251 : i32
        %get3A_253 = arith.constant 7 : i32
        %get3A_254 = arith.index_cast %get3A_253 : i32 to index
        %get3A_255 = arith.index_cast %add3A_252 : i32 to index
        %get3A_256 = tpu.vector_load %arg5[%get3A_254, %get3A_255] {strides = array<i32>} : memref<16x128xi32, #tpu.memory_space<vmem>>, vector<1x16xi32>,
        %get3A_257 = vector.shape_cast %get3A_256 : vector<1x16xi32> to vector<16xi32>
        %swap3A_258 = arith.constant 240 : index
        %swap3A_259 = tpu.vector_load %arg6[%swap3A_258] {strides = array<i32>} : memref<512xi32, #tpu.memory_space<vmem>>, vector<16xi32>,
        %swap3A_260 = vector.shape_cast %swap3A_259 : vector<16xi32> to vector<16xi32>
        %swap3A_261 = vector.shape_cast %get3A_257 : vector<16xi32> to vector<16xi32>
        tpu.vector_store %arg6[%swap3A_258], %swap3A_261 {strides = array<i32>} : memref<512xi32, #tpu.memory_space<vmem>>, vector<16xi32>,
        %mul3A_262 = arith.constant 32 : i32
        %mul3A_263 = arith.muli %scan3A_54, %mul3A_262 : i32
        %add3A_264 = arith.constant 0 : i32
        %add3A_265 = arith.addi %mul3A_263, %add3A_264 : i32
        %get3A_266 = arith.constant 8 : i32
        %get3A_267 = arith.index_cast %get3A_266 : i32 to index
        %get3A_268 = arith.index_cast %add3A_265 : i32 to index
        %get3A_269 = tpu.vector_load %arg5[%get3A_267, %get3A_268] {strides = array<i32>} : memref<16x128xi32, #tpu.memory_space<vmem>>, vector<1x16xi32>,
        %get3A_270 = vector.shape_cast %get3A_269 : vector<1x16xi32> to vector<16xi32>
        %swap3A_271 = arith.constant 256 : index
        %swap3A_272 = tpu.vector_load %arg6[%swap3A_271] {strides = array<i32>} : memref<512xi32, #tpu.memory_space<vmem>>, vector<16xi32>,
        %swap3A_273 = vector.shape_cast %swap3A_272 : vector<16xi32> to vector<16xi32>
        %swap3A_274 = vector.shape_cast %get3A_270 : vector<16xi32> to vector<16xi32>
        tpu.vector_store %arg6[%swap3A_271], %swap3A_274 {strides = array<i32>} : memref<512xi32, #tpu.memory_space<vmem>>, vector<16xi32>,
        %mul3A_275 = arith.constant 32 : i32
        %mul3A_276 = arith.muli %scan3A_54, %mul3A_275 : i32
        %add3A_277 = arith.constant 16 : i32
        %add3A_278 = arith.addi %mul3A_276, %add3A_277 : i32
        %get3A_279 = arith.constant 8 : i32
        %get3A_280 = arith.index_cast %get3A_279 : i32 to index
        %get3A_281 = arith.index_cast %add3A_278 : i32 to index
        %get3A_282 = tpu.vector_load %arg5[%get3A_280, %get3A_281] {strides = array<i32>} : memref<16x128xi32, #tpu.memory_space<vmem>>, vector<1x16xi32>,
        %get3A_283 = vector.shape_cast %get3A_282 : vector<1x16xi32> to vector<16xi32>
        %swap3A_284 = arith.constant 272 : index
        %swap3A_285 = tpu.vector_load %arg6[%swap3A_284] {strides = array<i32>} : memref<512xi32, #tpu.memory_space<vmem>>, vector<16xi32>,
        %swap3A_286 = vector.shape_cast %swap3A_285 : vector<16xi32> to vector<16xi32>
        %swap3A_287 = vector.shape_cast %get3A_283 : vector<16xi32> to vector<16xi32>
        tpu.vector_store %arg6[%swap3A_284], %swap3A_287 {strides = array<i32>} : memref<512xi32, #tpu.memory_space<vmem>>, vector<16xi32>,
        %mul3A_288 = arith.constant 32 : i32
        %mul3A_289 = arith.muli %scan3A_54, %mul3A_288 : i32
        %add3A_290 = arith.constant 0 : i32
        %add3A_291 = arith.addi %mul3A_289, %add3A_290 : i32
        %get3A_292 = arith.constant 9 : i32
        %get3A_293 = arith.index_cast %get3A_292 : i32 to index
        %get3A_294 = arith.index_cast %add3A_291 : i32 to index
        %get3A_295 = tpu.vector_load %arg5[%get3A_293, %get3A_294] {strides = array<i32>} : memref<16x128xi32, #tpu.memory_space<vmem>>, vector<1x16xi32>,
        %get3A_296 = vector.shape_cast %get3A_295 : vector<1x16xi32> to vector<16xi32>
        %swap3A_297 = arith.constant 288 : index
        %swap3A_298 = tpu.vector_load %arg6[%swap3A_297] {strides = array<i32>} : memref<512xi32, #tpu.memory_space<vmem>>, vector<16xi32>,
        %swap3A_299 = vector.shape_cast %swap3A_298 : vector<16xi32> to vector<16xi32>
        %swap3A_300 = vector.shape_cast %get3A_296 : vector<16xi32> to vector<16xi32>
        tpu.vector_store %arg6[%swap3A_297], %swap3A_300 {strides = array<i32>} : memref<512xi32, #tpu.memory_space<vmem>>, vector<16xi32>,
        %mul3A_301 = arith.constant 32 : i32
        %mul3A_302 = arith.muli %scan3A_54, %mul3A_301 : i32
        %add3A_303 = arith.constant 16 : i32
        %add3A_304 = arith.addi %mul3A_302, %add3A_303 : i32
        %get3A_305 = arith.constant 9 : i32
        %get3A_306 = arith.index_cast %get3A_305 : i32 to index
        %get3A_307 = arith.index_cast %add3A_304 : i32 to index
        %get3A_308 = tpu.vector_load %arg5[%get3A_306, %get3A_307] {strides = array<i32>} : memref<16x128xi32, #tpu.memory_space<vmem>>, vector<1x16xi32>,
        %get3A_309 = vector.shape_cast %get3A_308 : vector<1x16xi32> to vector<16xi32>
        %swap3A_310 = arith.constant 304 : index
        %swap3A_311 = tpu.vector_load %arg6[%swap3A_310] {strides = array<i32>} : memref<512xi32, #tpu.memory_space<vmem>>, vector<16xi32>,
        %swap3A_312 = vector.shape_cast %swap3A_311 : vector<16xi32> to vector<16xi32>
        %swap3A_313 = vector.shape_cast %get3A_309 : vector<16xi32> to vector<16xi32>
        tpu.vector_store %arg6[%swap3A_310], %swap3A_313 {strides = array<i32>} : memref<512xi32, #tpu.memory_space<vmem>>, vector<16xi32>,
        %mul3A_314 = arith.constant 32 : i32
        %mul3A_315 = arith.muli %scan3A_54, %mul3A_314 : i32
        %add3A_316 = arith.constant 0 : i32
        %add3A_317 = arith.addi %mul3A_315, %add3A_316 : i32
        %get3A_318 = arith.constant 10 : i32
        %get3A_319 = arith.index_cast %get3A_318 : i32 to index
        %get3A_320 = arith.index_cast %add3A_317 : i32 to index
        %get3A_321 = tpu.vector_load %arg5[%get3A_319, %get3A_320] {strides = array<i32>} : memref<16x128xi32, #tpu.memory_space<vmem>>, vector<1x16xi32>,
        %get3A_322 = vector.shape_cast %get3A_321 : vector<1x16xi32> to vector<16xi32>
        %swap3A_323 = arith.constant 320 : index
        %swap3A_324 = tpu.vector_load %arg6[%swap3A_323] {strides = array<i32>} : memref<512xi32, #tpu.memory_space<vmem>>, vector<16xi32>,
        %swap3A_325 = vector.shape_cast %swap3A_324 : vector<16xi32> to vector<16xi32>
        %swap3A_326 = vector.shape_cast %get3A_322 : vector<16xi32> to vector<16xi32>
        tpu.vector_store %arg6[%swap3A_323], %swap3A_326 {strides = array<i32>} : memref<512xi32, #tpu.memory_space<vmem>>, vector<16xi32>,
        %mul3A_327 = arith.constant 32 : i32
        %mul3A_328 = arith.muli %scan3A_54, %mul3A_327 : i32
        %add3A_329 = arith.constant 16 : i32
        %add3A_330 = arith.addi %mul3A_328, %add3A_329 : i32
        %get3A_331 = arith.constant 10 : i32
        %get3A_332 = arith.index_cast %get3A_331 : i32 to index
        %get3A_333 = arith.index_cast %add3A_330 : i32 to index
        %get3A_334 = tpu.vector_load %arg5[%get3A_332, %get3A_333] {strides = array<i32>} : memref<16x128xi32, #tpu.memory_space<vmem>>, vector<1x16xi32>,
        %get3A_335 = vector.shape_cast %get3A_334 : vector<1x16xi32> to vector<16xi32>
        %swap3A_336 = arith.constant 336 : index
        %swap3A_337 = tpu.vector_load %arg6[%swap3A_336] {strides = array<i32>} : memref<512xi32, #tpu.memory_space<vmem>>, vector<16xi32>,
        %swap3A_338 = vector.shape_cast %swap3A_337 : vector<16xi32> to vector<16xi32>
        %swap3A_339 = vector.shape_cast %get3A_335 : vector<16xi32> to vector<16xi32>
        tpu.vector_store %arg6[%swap3A_336], %swap3A_339 {strides = array<i32>} : memref<512xi32, #tpu.memory_space<vmem>>, vector<16xi32>,
        %mul3A_340 = arith.constant 32 : i32
        %mul3A_341 = arith.muli %scan3A_54, %mul3A_340 : i32
        %add3A_342 = arith.constant 0 : i32
        %add3A_343 = arith.addi %mul3A_341, %add3A_342 : i32
        %get3A_344 = arith.constant 11 : i32
        %get3A_345 = arith.index_cast %get3A_344 : i32 to index
        %get3A_346 = arith.index_cast %add3A_343 : i32 to index
        %get3A_347 = tpu.vector_load %arg5[%get3A_345, %get3A_346] {strides = array<i32>} : memref<16x128xi32, #tpu.memory_space<vmem>>, vector<1x16xi32>,
        %get3A_348 = vector.shape_cast %get3A_347 : vector<1x16xi32> to vector<16xi32>
        %swap3A_349 = arith.constant 352 : index
        %swap3A_350 = tpu.vector_load %arg6[%swap3A_349] {strides = array<i32>} : memref<512xi32, #tpu.memory_space<vmem>>, vector<16xi32>,
        %swap3A_351 = vector.shape_cast %swap3A_350 : vector<16xi32> to vector<16xi32>
        %swap3A_352 = vector.shape_cast %get3A_348 : vector<16xi32> to vector<16xi32>
        tpu.vector_store %arg6[%swap3A_349], %swap3A_352 {strides = array<i32>} : memref<512xi32, #tpu.memory_space<vmem>>, vector<16xi32>,
        %mul3A_353 = arith.constant 32 : i32
        %mul3A_354 = arith.muli %scan3A_54, %mul3A_353 : i32
        %add3A_355 = arith.constant 16 : i32
        %add3A_356 = arith.addi %mul3A_354, %add3A_355 : i32
        %get3A_357 = arith.constant 11 : i32
        %get3A_358 = arith.index_cast %get3A_357 : i32 to index
        %get3A_359 = arith.index_cast %add3A_356 : i32 to index
        %get3A_360 = tpu.vector_load %arg5[%get3A_358, %get3A_359] {strides = array<i32>} : memref<16x128xi32, #tpu.memory_space<vmem>>, vector<1x16xi32>,
        %get3A_361 = vector.shape_cast %get3A_360 : vector<1x16xi32> to vector<16xi32>
        %swap3A_362 = arith.constant 368 : index
        %swap3A_363 = tpu.vector_load %arg6[%swap3A_362] {strides = array<i32>} : memref<512xi32, #tpu.memory_space<vmem>>, vector<16xi32>,
        %swap3A_364 = vector.shape_cast %swap3A_363 : vector<16xi32> to vector<16xi32>
        %swap3A_365 = vector.shape_cast %get3A_361 : vector<16xi32> to vector<16xi32>
        tpu.vector_store %arg6[%swap3A_362], %swap3A_365 {strides = array<i32>} : memref<512xi32, #tpu.memory_space<vmem>>, vector<16xi32>,
        %mul3A_366 = arith.constant 32 : i32
        %mul3A_367 = arith.muli %scan3A_54, %mul3A_366 : i32
        %add3A_368 = arith.constant 0 : i32
        %add3A_369 = arith.addi %mul3A_367, %add3A_368 : i32
        %get3A_370 = arith.constant 12 : i32
        %get3A_371 = arith.index_cast %get3A_370 : i32 to index
        %get3A_372 = arith.index_cast %add3A_369 : i32 to index
        %get3A_373 = tpu.vector_load %arg5[%get3A_371, %get3A_372] {strides = array<i32>} : memref<16x128xi32, #tpu.memory_space<vmem>>, vector<1x16xi32>,
        %get3A_374 = vector.shape_cast %get3A_373 : vector<1x16xi32> to vector<16xi32>
        %swap3A_375 = arith.constant 384 : index
        %swap3A_376 = tpu.vector_load %arg6[%swap3A_375] {strides = array<i32>} : memref<512xi32, #tpu.memory_space<vmem>>, vector<16xi32>,
        %swap3A_377 = vector.shape_cast %swap3A_376 : vector<16xi32> to vector<16xi32>
        %swap3A_378 = vector.shape_cast %get3A_374 : vector<16xi32> to vector<16xi32>
        tpu.vector_store %arg6[%swap3A_375], %swap3A_378 {strides = array<i32>} : memref<512xi32, #tpu.memory_space<vmem>>, vector<16xi32>,
        %mul3A_379 = arith.constant 32 : i32
        %mul3A_380 = arith.muli %scan3A_54, %mul3A_379 : i32
        %add3A_381 = arith.constant 16 : i32
        %add3A_382 = arith.addi %mul3A_380, %add3A_381 : i32
        %get3A_383 = arith.constant 12 : i32
        %get3A_384 = arith.index_cast %get3A_383 : i32 to index
        %get3A_385 = arith.index_cast %add3A_382 : i32 to index
        %get3A_386 = tpu.vector_load %arg5[%get3A_384, %get3A_385] {strides = array<i32>} : memref<16x128xi32, #tpu.memory_space<vmem>>, vector<1x16xi32>,
        %get3A_387 = vector.shape_cast %get3A_386 : vector<1x16xi32> to vector<16xi32>
        %swap3A_388 = arith.constant 400 : index
        %swap3A_389 = tpu.vector_load %arg6[%swap3A_388] {strides = array<i32>} : memref<512xi32, #tpu.memory_space<vmem>>, vector<16xi32>,
        %swap3A_390 = vector.shape_cast %swap3A_389 : vector<16xi32> to vector<16xi32>
        %swap3A_391 = vector.shape_cast %get3A_387 : vector<16xi32> to vector<16xi32>
        tpu.vector_store %arg6[%swap3A_388], %swap3A_391 {strides = array<i32>} : memref<512xi32, #tpu.memory_space<vmem>>, vector<16xi32>,
        %mul3A_392 = arith.constant 32 : i32
        %mul3A_393 = arith.muli %scan3A_54, %mul3A_392 : i32
        %add3A_394 = arith.constant 0 : i32
        %add3A_395 = arith.addi %mul3A_393, %add3A_394 : i32
        %get3A_396 = arith.constant 13 : i32
        %get3A_397 = arith.index_cast %get3A_396 : i32 to index
        %get3A_398 = arith.index_cast %add3A_395 : i32 to index
        %get3A_399 = tpu.vector_load %arg5[%get3A_397, %get3A_398] {strides = array<i32>} : memref<16x128xi32, #tpu.memory_space<vmem>>, vector<1x16xi32>,
        %get3A_400 = vector.shape_cast %get3A_399 : vector<1x16xi32> to vector<16xi32>
        %swap3A_401 = arith.constant 416 : index
        %swap3A_402 = tpu.vector_load %arg6[%swap3A_401] {strides = array<i32>} : memref<512xi32, #tpu.memory_space<vmem>>, vector<16xi32>,
        %swap3A_403 = vector.shape_cast %swap3A_402 : vector<16xi32> to vector<16xi32>
        %swap3A_404 = vector.shape_cast %get3A_400 : vector<16xi32> to vector<16xi32>
        tpu.vector_store %arg6[%swap3A_401], %swap3A_404 {strides = array<i32>} : memref<512xi32, #tpu.memory_space<vmem>>, vector<16xi32>,
        %mul3A_405 = arith.constant 32 : i32
        %mul3A_406 = arith.muli %scan3A_54, %mul3A_405 : i32
        %add3A_407 = arith.constant 16 : i32
        %add3A_408 = arith.addi %mul3A_406, %add3A_407 : i32
        %get3A_409 = arith.constant 13 : i32
        %get3A_410 = arith.index_cast %get3A_409 : i32 to index
        %get3A_411 = arith.index_cast %add3A_408 : i32 to index
        %get3A_412 = tpu.vector_load %arg5[%get3A_410, %get3A_411] {strides = array<i32>} : memref<16x128xi32, #tpu.memory_space<vmem>>, vector<1x16xi32>,
        %get3A_413 = vector.shape_cast %get3A_412 : vector<1x16xi32> to vector<16xi32>
        %swap3A_414 = arith.constant 432 : index
        %swap3A_415 = tpu.vector_load %arg6[%swap3A_414] {strides = array<i32>} : memref<512xi32, #tpu.memory_space<vmem>>, vector<16xi32>,
        %swap3A_416 = vector.shape_cast %swap3A_415 : vector<16xi32> to vector<16xi32>
        %swap3A_417 = vector.shape_cast %get3A_413 : vector<16xi32> to vector<16xi32>
        tpu.vector_store %arg6[%swap3A_414], %swap3A_417 {strides = array<i32>} : memref<512xi32, #tpu.memory_space<vmem>>, vector<16xi32>,
        %mul3A_418 = arith.constant 32 : i32
        %mul3A_419 = arith.muli %scan3A_54, %mul3A_418 : i32
        %add3A_420 = arith.constant 0 : i32
        %add3A_421 = arith.addi %mul3A_419, %add3A_420 : i32
        %get3A_422 = arith.constant 14 : i32
        %get3A_423 = arith.index_cast %get3A_422 : i32 to index
        %get3A_424 = arith.index_cast %add3A_421 : i32 to index
        %get3A_425 = tpu.vector_load %arg5[%get3A_423, %get3A_424] {strides = array<i32>} : memref<16x128xi32, #tpu.memory_space<vmem>>, vector<1x16xi32>,
        %get3A_426 = vector.shape_cast %get3A_425 : vector<1x16xi32> to vector<16xi32>
        %swap3A_427 = arith.constant 448 : index
        %swap3A_428 = tpu.vector_load %arg6[%swap3A_427] {strides = array<i32>} : memref<512xi32, #tpu.memory_space<vmem>>, vector<16xi32>,
        %swap3A_429 = vector.shape_cast %swap3A_428 : vector<16xi32> to vector<16xi32>
        %swap3A_430 = vector.shape_cast %get3A_426 : vector<16xi32> to vector<16xi32>
        tpu.vector_store %arg6[%swap3A_427], %swap3A_430 {strides = array<i32>} : memref<512xi32, #tpu.memory_space<vmem>>, vector<16xi32>,
        %mul3A_431 = arith.constant 32 : i32
        %mul3A_432 = arith.muli %scan3A_54, %mul3A_431 : i32
        %add3A_433 = arith.constant 16 : i32
        %add3A_434 = arith.addi %mul3A_432, %add3A_433 : i32
        %get3A_435 = arith.constant 14 : i32
        %get3A_436 = arith.index_cast %get3A_435 : i32 to index
        %get3A_437 = arith.index_cast %add3A_434 : i32 to index
        %get3A_438 = tpu.vector_load %arg5[%get3A_436, %get3A_437] {strides = array<i32>} : memref<16x128xi32, #tpu.memory_space<vmem>>, vector<1x16xi32>,
        %get3A_439 = vector.shape_cast %get3A_438 : vector<1x16xi32> to vector<16xi32>
        %swap3A_440 = arith.constant 464 : index
        %swap3A_441 = tpu.vector_load %arg6[%swap3A_440] {strides = array<i32>} : memref<512xi32, #tpu.memory_space<vmem>>, vector<16xi32>,
        %swap3A_442 = vector.shape_cast %swap3A_441 : vector<16xi32> to vector<16xi32>
        %swap3A_443 = vector.shape_cast %get3A_439 : vector<16xi32> to vector<16xi32>
        tpu.vector_store %arg6[%swap3A_440], %swap3A_443 {strides = array<i32>} : memref<512xi32, #tpu.memory_space<vmem>>, vector<16xi32>,
        %mul3A_444 = arith.constant 32 : i32
        %mul3A_445 = arith.muli %scan3A_54, %mul3A_444 : i32
        %add3A_446 = arith.constant 0 : i32
        %add3A_447 = arith.addi %mul3A_445, %add3A_446 : i32
        %get3A_448 = arith.constant 15 : i32
        %get3A_449 = arith.index_cast %get3A_448 : i32 to index
        %get3A_450 = arith.index_cast %add3A_447 : i32 to index
        %get3A_451 = tpu.vector_load %arg5[%get3A_449, %get3A_450] {strides = array<i32>} : memref<16x128xi32, #tpu.memory_space<vmem>>, vector<1x16xi32>,
        %get3A_452 = vector.shape_cast %get3A_451 : vector<1x16xi32> to vector<16xi32>
        %swap3A_453 = arith.constant 480 : index
        %swap3A_454 = tpu.vector_load %arg6[%swap3A_453] {strides = array<i32>} : memref<512xi32, #tpu.memory_space<vmem>>, vector<16xi32>,
        %swap3A_455 = vector.shape_cast %swap3A_454 : vector<16xi32> to vector<16xi32>
        %swap3A_456 = vector.shape_cast %get3A_452 : vector<16xi32> to vector<16xi32>
        tpu.vector_store %arg6[%swap3A_453], %swap3A_456 {strides = array<i32>} : memref<512xi32, #tpu.memory_space<vmem>>, vector<16xi32>,
        %mul3A_457 = arith.constant 32 : i32
        %mul3A_458 = arith.muli %scan3A_54, %mul3A_457 : i32
        %add3A_459 = arith.constant 16 : i32
        %add3A_460 = arith.addi %mul3A_458, %add3A_459 : i32
        %get3A_461 = arith.constant 15 : i32
        %get3A_462 = arith.index_cast %get3A_461 : i32 to index
        %get3A_463 = arith.index_cast %add3A_460 : i32 to index
        %get3A_464 = tpu.vector_load %arg5[%get3A_462, %get3A_463] {strides = array<i32>} : memref<16x128xi32, #tpu.memory_space<vmem>>, vector<1x16xi32>,
        %get3A_465 = vector.shape_cast %get3A_464 : vector<1x16xi32> to vector<16xi32>
        %swap3A_466 = arith.constant 496 : index
        %swap3A_467 = tpu.vector_load %arg6[%swap3A_466] {strides = array<i32>} : memref<512xi32, #tpu.memory_space<vmem>>, vector<16xi32>,
        %swap3A_468 = vector.shape_cast %swap3A_467 : vector<16xi32> to vector<16xi32>
        %swap3A_469 = vector.shape_cast %get3A_465 : vector<16xi32> to vector<16xi32>
        tpu.vector_store %arg6[%swap3A_466], %swap3A_469 {strides = array<i32>} : memref<512xi32, #tpu.memory_space<vmem>>, vector<16xi32>,
        %dma_start3A = arith.constant 0 : i32
        %dma_start3A_470 = arith.constant 0 : i32
        %dma_start3A_471 = tpu.memref_slice %arg2[%dma_start3A, %dma_start3A_470] : memref<32768x128xf32, #tpu.memory_space<hbm>> -> memref<32768x128xf32, #tpu.memory_space<hbm>>
        tpu.enqueue_indirect_dma source(%dma_start3A_471 : memref<32768x128xf32, #tpu.memory_space<hbm>>) target(%arg7 : memref<512x128xf32, #tpu.memory_space<vmem>>) offsets(%arg6 : memref<512xi32, #tpu.memory_space<vmem>>) semaphore(%arg9 : memref<!tpu.dma_semaphore, #tpu.memory_space<semaphore_mem>>)
        %dma_wait3A = arith.constant 0 : i32
        %dma_wait3A_472 = arith.constant 0 : i32
        %dma_wait3A_473 = tpu.memref_slice %arg2[%dma_wait3A, %dma_wait3A_472] : memref<32768x128xf32, #tpu.memory_space<hbm>> -> memref<32768x128xf32, #tpu.memory_space<hbm>>
        tpu.wait_indirect_dma semaphore(%arg9 : memref<!tpu.dma_semaphore, #tpu.memory_space<semaphore_mem>>) src(%dma_wait3A_473 : memref<32768x128xf32, #tpu.memory_space<hbm>>) dst(%arg7 : memref<512x128xf32, #tpu.memory_space<vmem>>)
        %scan3A_474 = arith.constant 0 : i32
        %scan3A_475 = arith.constant 0 : i32
        %scan3A_476 = arith.constant 32 : i32
        %scan3A_477 = arith.addi %scan3A_475, %scan3A_476 : i32
        %scan3A_478 = arith.constant 1 : i32
        %scan3A_479 = scf.for %scan3A_485 = %scan3A_475 to %scan3A_477 step %scan3A_478 iter_args(%scan3A_486 = %scan3A_474) -> (i32)  : i32 {
          %scan3A_487 = arith.constant 0 : i32
          %scan3A_488 = arith.constant 0 : i32
          %scan3A_489 = arith.constant 8 : i32
          %scan3A_490 = arith.addi %scan3A_488, %scan3A_489 : i32
          %scan3A_491 = arith.constant 1 : i32
          %scan3A_492 = scf.for %scan3A_495 = %scan3A_488 to %scan3A_490 step %scan3A_491 iter_args(%scan3A_496 = %scan3A_487) -> (i32)  : i32 {
            %mul3A_497 = arith.constant 16 : i32
            %mul3A_498 = arith.muli %scan3A_495, %mul3A_497 : i32
            %get3A_499 = arith.index_cast %scan3A_485 : i32 to index
            %get3A_500 = arith.index_cast %mul3A_498 : i32 to index
            %get3A_501 = tpu.vector_load %arg7[%get3A_499, %get3A_500] {strides = array<i32>} : memref<512x128xf32, #tpu.memory_space<vmem>>, vector<1x16xf32>,
            %get3A_502 = vector.shape_cast %get3A_501 : vector<1x16xf32> to vector<16xf32>
            %add3A_503 = arith.constant 32 : i32
            %add3A_504 = arith.addi %add3A_503, %scan3A_485 : i32
            %get3A_505 = arith.index_cast %add3A_504 : i32 to index
            %get3A_506 = arith.index_cast %mul3A_498 : i32 to index
            %get3A_507 = tpu.vector_load %arg7[%get3A_505, %get3A_506] {strides = array<i32>} : memref<512x128xf32, #tpu.memory_space<vmem>>, vector<1x16xf32>,
            %get3A_508 = vector.shape_cast %get3A_507 : vector<1x16xf32> to vector<16xf32>
            %max3A = arith.maximumf %get3A_502, %get3A_508 : vector<16xf32>
            %add3A_509 = arith.constant 64 : i32
            %add3A_510 = arith.addi %add3A_509, %scan3A_485 : i32
            %get3A_511 = arith.index_cast %add3A_510 : i32 to index
            %get3A_512 = arith.index_cast %mul3A_498 : i32 to index
            %get3A_513 = tpu.vector_load %arg7[%get3A_511, %get3A_512] {strides = array<i32>} : memref<512x128xf32, #tpu.memory_space<vmem>>, vector<1x16xf32>,
            %get3A_514 = vector.shape_cast %get3A_513 : vector<1x16xf32> to vector<16xf32>
            %max3A_515 = arith.maximumf %max3A, %get3A_514 : vector<16xf32>
            %add3A_516 = arith.constant 96 : i32
            %add3A_517 = arith.addi %add3A_516, %scan3A_485 : i32
            %get3A_518 = arith.index_cast %add3A_517 : i32 to index
            %get3A_519 = arith.index_cast %mul3A_498 : i32 to index
            %get3A_520 = tpu.vector_load %arg7[%get3A_518, %get3A_519] {strides = array<i32>} : memref<512x128xf32, #tpu.memory_space<vmem>>, vector<1x16xf32>,
            %get3A_521 = vector.shape_cast %get3A_520 : vector<1x16xf32> to vector<16xf32>
            %max3A_522 = arith.maximumf %max3A_515, %get3A_521 : vector<16xf32>
            %add3A_523 = arith.constant 128 : i32
            %add3A_524 = arith.addi %add3A_523, %scan3A_485 : i32
            %get3A_525 = arith.index_cast %add3A_524 : i32 to index
            %get3A_526 = arith.index_cast %mul3A_498 : i32 to index
            %get3A_527 = tpu.vector_load %arg7[%get3A_525, %get3A_526] {strides = array<i32>} : memref<512x128xf32, #tpu.memory_space<vmem>>, vector<1x16xf32>,
            %get3A_528 = vector.shape_cast %get3A_527 : vector<1x16xf32> to vector<16xf32>
            %max3A_529 = arith.maximumf %max3A_522, %get3A_528 : vector<16xf32>
            %add3A_530 = arith.constant 160 : i32
            %add3A_531 = arith.addi %add3A_530, %scan3A_485 : i32
            %get3A_532 = arith.index_cast %add3A_531 : i32 to index
            %get3A_533 = arith.index_cast %mul3A_498 : i32 to index
            %get3A_534 = tpu.vector_load %arg7[%get3A_532, %get3A_533] {strides = array<i32>} : memref<512x128xf32, #tpu.memory_space<vmem>>, vector<1x16xf32>,
            %get3A_535 = vector.shape_cast %get3A_534 : vector<1x16xf32> to vector<16xf32>
            %max3A_536 = arith.maximumf %max3A_529, %get3A_535 : vector<16xf32>
            %add3A_537 = arith.constant 192 : i32
            %add3A_538 = arith.addi %add3A_537, %scan3A_485 : i32
            %get3A_539 = arith.index_cast %add3A_538 : i32 to index
            %get3A_540 = arith.index_cast %mul3A_498 : i32 to index
            %get3A_541 = tpu.vector_load %arg7[%get3A_539, %get3A_540] {strides = array<i32>} : memref<512x128xf32, #tpu.memory_space<vmem>>, vector<1x16xf32>,
            %get3A_542 = vector.shape_cast %get3A_541 : vector<1x16xf32> to vector<16xf32>
            %max3A_543 = arith.maximumf %max3A_536, %get3A_542 : vector<16xf32>
            %add3A_544 = arith.constant 224 : i32
            %add3A_545 = arith.addi %add3A_544, %scan3A_485 : i32
            %get3A_546 = arith.index_cast %add3A_545 : i32 to index
            %get3A_547 = arith.index_cast %mul3A_498 : i32 to index
            %get3A_548 = tpu.vector_load %arg7[%get3A_546, %get3A_547] {strides = array<i32>} : memref<512x128xf32, #tpu.memory_space<vmem>>, vector<1x16xf32>,
            %get3A_549 = vector.shape_cast %get3A_548 : vector<1x16xf32> to vector<16xf32>
            %max3A_550 = arith.maximumf %max3A_543, %get3A_549 : vector<16xf32>
            %add3A_551 = arith.constant 256 : i32
            %add3A_552 = arith.addi %add3A_551, %scan3A_485 : i32
            %get3A_553 = arith.index_cast %add3A_552 : i32 to index
            %get3A_554 = arith.index_cast %mul3A_498 : i32 to index
            %get3A_555 = tpu.vector_load %arg7[%get3A_553, %get3A_554] {strides = array<i32>} : memref<512x128xf32, #tpu.memory_space<vmem>>, vector<1x16xf32>,
            %get3A_556 = vector.shape_cast %get3A_555 : vector<1x16xf32> to vector<16xf32>
            %max3A_557 = arith.maximumf %max3A_550, %get3A_556 : vector<16xf32>
            %add3A_558 = arith.constant 288 : i32
            %add3A_559 = arith.addi %add3A_558, %scan3A_485 : i32
            %get3A_560 = arith.index_cast %add3A_559 : i32 to index
            %get3A_561 = arith.index_cast %mul3A_498 : i32 to index
            %get3A_562 = tpu.vector_load %arg7[%get3A_560, %get3A_561] {strides = array<i32>} : memref<512x128xf32, #tpu.memory_space<vmem>>, vector<1x16xf32>,
            %get3A_563 = vector.shape_cast %get3A_562 : vector<1x16xf32> to vector<16xf32>
            %max3A_564 = arith.maximumf %max3A_557, %get3A_563 : vector<16xf32>
            %add3A_565 = arith.constant 320 : i32
            %add3A_566 = arith.addi %add3A_565, %scan3A_485 : i32
            %get3A_567 = arith.index_cast %add3A_566 : i32 to index
            %get3A_568 = arith.index_cast %mul3A_498 : i32 to index
            %get3A_569 = tpu.vector_load %arg7[%get3A_567, %get3A_568] {strides = array<i32>} : memref<512x128xf32, #tpu.memory_space<vmem>>, vector<1x16xf32>,
            %get3A_570 = vector.shape_cast %get3A_569 : vector<1x16xf32> to vector<16xf32>
            %max3A_571 = arith.maximumf %max3A_564, %get3A_570 : vector<16xf32>
            %add3A_572 = arith.constant 352 : i32
            %add3A_573 = arith.addi %add3A_572, %scan3A_485 : i32
            %get3A_574 = arith.index_cast %add3A_573 : i32 to index
            %get3A_575 = arith.index_cast %mul3A_498 : i32 to index
            %get3A_576 = tpu.vector_load %arg7[%get3A_574, %get3A_575] {strides = array<i32>} : memref<512x128xf32, #tpu.memory_space<vmem>>, vector<1x16xf32>,
            %get3A_577 = vector.shape_cast %get3A_576 : vector<1x16xf32> to vector<16xf32>
            %max3A_578 = arith.maximumf %max3A_571, %get3A_577 : vector<16xf32>
            %add3A_579 = arith.constant 384 : i32
            %add3A_580 = arith.addi %add3A_579, %scan3A_485 : i32
            %get3A_581 = arith.index_cast %add3A_580 : i32 to index
            %get3A_582 = arith.index_cast %mul3A_498 : i32 to index
            %get3A_583 = tpu.vector_load %arg7[%get3A_581, %get3A_582] {strides = array<i32>} : memref<512x128xf32, #tpu.memory_space<vmem>>, vector<1x16xf32>,
            %get3A_584 = vector.shape_cast %get3A_583 : vector<1x16xf32> to vector<16xf32>
            %max3A_585 = arith.maximumf %max3A_578, %get3A_584 : vector<16xf32>
            %add3A_586 = arith.constant 416 : i32
            %add3A_587 = arith.addi %add3A_586, %scan3A_485 : i32
            %get3A_588 = arith.index_cast %add3A_587 : i32 to index
            %get3A_589 = arith.index_cast %mul3A_498 : i32 to index
            %get3A_590 = tpu.vector_load %arg7[%get3A_588, %get3A_589] {strides = array<i32>} : memref<512x128xf32, #tpu.memory_space<vmem>>, vector<1x16xf32>,
            %get3A_591 = vector.shape_cast %get3A_590 : vector<1x16xf32> to vector<16xf32>
            %max3A_592 = arith.maximumf %max3A_585, %get3A_591 : vector<16xf32>
            %add3A_593 = arith.constant 448 : i32
            %add3A_594 = arith.addi %add3A_593, %scan3A_485 : i32
            %get3A_595 = arith.index_cast %add3A_594 : i32 to index
            %get3A_596 = arith.index_cast %mul3A_498 : i32 to index
            %get3A_597 = tpu.vector_load %arg7[%get3A_595, %get3A_596] {strides = array<i32>} : memref<512x128xf32, #tpu.memory_space<vmem>>, vector<1x16xf32>,
            %get3A_598 = vector.shape_cast %get3A_597 : vector<1x16xf32> to vector<16xf32>
            %max3A_599 = arith.maximumf %max3A_592, %get3A_598 : vector<16xf32>
            %add3A_600 = arith.constant 480 : i32
            %add3A_601 = arith.addi %add3A_600, %scan3A_485 : i32
            %get3A_602 = arith.index_cast %add3A_601 : i32 to index
            %get3A_603 = arith.index_cast %mul3A_498 : i32 to index
            %get3A_604 = tpu.vector_load %arg7[%get3A_602, %get3A_603] {strides = array<i32>} : memref<512x128xf32, #tpu.memory_space<vmem>>, vector<1x16xf32>,
            %get3A_605 = vector.shape_cast %get3A_604 : vector<1x16xf32> to vector<16xf32>
            %max3A_606 = arith.maximumf %max3A_599, %get3A_605 : vector<16xf32>
            %swap3A_607 = arith.index_cast %scan3A_485 : i32 to index
            %swap3A_608 = arith.index_cast %mul3A_498 : i32 to index
            %swap3A_609 = tpu.vector_load %arg8[%swap3A_607, %swap3A_608] {strides = array<i32>} : memref<32x128xf32, #tpu.memory_space<vmem>>, vector<1x16xf32>,
            %swap3A_610 = vector.shape_cast %swap3A_609 : vector<1x16xf32> to vector<16xf32>
            %swap3A_611 = vector.shape_cast %max3A_606 : vector<16xf32> to vector<1x16xf32>
            tpu.vector_store %arg8[%swap3A_607, %swap3A_608], %swap3A_611 {strides = array<i32>} : memref<32x128xf32, #tpu.memory_space<vmem>>, vector<1x16xf32>,
            %scan3A_612 = arith.constant 0 : i32
            scf.yield %scan3A_612 : i32
          }
          %scan3A_493 = arith.constant 8 : i32
          %scan3A_494 = arith.constant 0 : i32
          scf.yield %scan3A_494 : i32
        }
        %scan3A_480 = arith.constant 32 : i32
        %add3A_481 = arith.addi %add3A_13, %scan3A_54 : i32
        %mul3A_482 = arith.constant 32 : i32
        %mul3A_483 = arith.muli %add3A_481, %mul3A_482 : i32
        "tpu.region"() ({
          %run_scoped3A = tpu.sem_alloc : memref<!tpu.dma_semaphore, #tpu.memory_space<semaphore_mem>>
          %dma_start3A_485 = arith.constant 0 : i32
          %dma_start3A_486 = tpu.memref_slice %arg4[%mul3A_483, %dma_start3A_485] : memref<8192x128xf32, #tpu.memory_space<hbm>> -> memref<32x128xf32, #tpu.memory_space<hbm>>
          %dma_start3A_487 = arith.constant 0 : i32
          %dma_start3A_488 = tpu.memref_slice %arg4[%mul3A_483, %dma_start3A_487] : memref<8192x128xf32, #tpu.memory_space<hbm>> -> memref<32x128xf32, #tpu.memory_space<hbm>>
          tpu.enqueue_dma source(%arg8 : memref<32x128xf32, #tpu.memory_space<vmem>>) target(%dma_start3A_488 : memref<32x128xf32, #tpu.memory_space<hbm>>) target_semaphore(%run_scoped3A : memref<!tpu.dma_semaphore, #tpu.memory_space<semaphore_mem>>)
          %dma_wait3A_489 = arith.constant 0 : i32
          %dma_wait3A_490 = tpu.memref_slice %arg4[%mul3A_483, %dma_wait3A_489] : memref<8192x128xf32, #tpu.memory_space<hbm>> -> memref<32x128xf32, #tpu.memory_space<hbm>>
          %dma_wait3A_491 = arith.constant 0 : i32
          %dma_wait3A_492 = tpu.memref_slice %arg4[%mul3A_483, %dma_wait3A_491] : memref<8192x128xf32, #tpu.memory_space<hbm>> -> memref<32x128xf32, #tpu.memory_space<hbm>>
          tpu.wait_dma2 semaphore(%run_scoped3A : memref<!tpu.dma_semaphore, #tpu.memory_space<semaphore_mem>>) src(%arg8 : memref<32x128xf32, #tpu.memory_space<vmem>>) dst(%dma_wait3A_492 : memref<32x128xf32, #tpu.memory_space<hbm>>)
          tpu.yield
        }) : () -> ()
        %scan3A_484 = arith.constant 0 : i32
        scf.yield %scan3A_484 : i32
      }
      %scan3A_52 = arith.constant 4 : i32
      %scan3A_53 = arith.constant 0 : i32
      scf.yield %scan3A_53 : i32
    }
    %scan3A_6 = arith.constant 2 : i32
    return
  }
}

module attributes {stable_mosaic.version = 14 : i64} {
  func.func @_bnrelu_body(%arg0: i32, %arg1: memref<512x128xf32, #tpu.memory_space<vmem>>, %arg2: memref<8x128xf32, #tpu.memory_space<vmem>>, %arg3: memref<1x128xf32, #tpu.memory_space<vmem>>, %arg4: memref<1x128xf32, #tpu.memory_space<vmem>>, %arg5: memref<512x128xf32, #tpu.memory_space<vmem>>) attributes {dimension_semantics = [#tpu.dimension_semantics<arbitrary>], iteration_bounds = array<i64: 64>, scalar_prefetch = 0 : i64, scratch_operands = 0 : i64, tpu.core_type = #tpu.core_type<tc>, window_params = [{transform_indices = @transform_0, window_bounds = array<i64: 512, 128>}, {pipeline_mode = #tpu.pipeline_mode<synchronous>, transform_indices = @transform_1, window_bounds = array<i64: 8, 128>}, {pipeline_mode = #tpu.pipeline_mode<synchronous>, transform_indices = @transform_2, window_bounds = array<i64: 1, 128>}, {pipeline_mode = #tpu.pipeline_mode<synchronous>, transform_indices = @transform_3, window_bounds = array<i64: 1, 128>}, {transform_indices = @transform_4, window_bounds = array<i64: 512, 128>}]} {
    %get3A = arith.constant 0 : index
    %get3A_0 = arith.constant 0 : index
    %get3A_1 = vector.load %arg2[%get3A, %get3A_0] : memref<8x128xf32, #tpu.memory_space<vmem>>, vector<1x128xf32>
    %div3A = arith.constant 3.276800e+04 : f32
    %div3A_2 = vector.broadcast %div3A : f32 to vector<1x128xf32>
    %div3A_3 = arith.divf %get3A_1, %div3A_2 : vector<1x128xf32>
    %get3A_4 = arith.constant 1 : index
    %get3A_5 = arith.constant 0 : index
    %get3A_6 = vector.load %arg2[%get3A_4, %get3A_5] : memref<8x128xf32, #tpu.memory_space<vmem>>, vector<1x128xf32>
    %div3A_7 = arith.constant 3.276800e+04 : f32
    %div3A_8 = vector.broadcast %div3A_7 : f32 to vector<1x128xf32>
    %div3A_9 = arith.divf %get3A_6, %div3A_8 : vector<1x128xf32>
    %mul3A = arith.mulf %div3A_3, %div3A_3 : vector<1x128xf32>
    %sub3A = arith.subf %div3A_9, %mul3A : vector<1x128xf32>
    %get3A_10 = arith.constant 0 : index
    %get3A_11 = arith.constant 0 : index
    %get3A_12 = vector.load %arg3[%get3A_10, %get3A_11] : memref<1x128xf32, #tpu.memory_space<vmem>>, vector<1x128xf32>
    %add3A = arith.constant 9.99999974E-6 : f32
    %add3A_13 = vector.broadcast %add3A : f32 to vector<1x128xf32>
    %add3A_14 = arith.addf %sub3A, %add3A_13 : vector<1x128xf32>
    %sqrt3A = math.sqrt %add3A_14 : vector<1x128xf32>
    %div3A_15 = arith.divf %get3A_12, %sqrt3A : vector<1x128xf32>
    %get3A_16 = arith.constant 0 : index
    %get3A_17 = arith.constant 0 : index
    %get3A_18 = vector.load %arg4[%get3A_16, %get3A_17] : memref<1x128xf32, #tpu.memory_space<vmem>>, vector<1x128xf32>
    %mul3A_19 = arith.mulf %div3A_3, %div3A_15 : vector<1x128xf32>
    %sub3A_20 = arith.subf %get3A_18, %mul3A_19 : vector<1x128xf32>
    %get3A_21 = arith.constant 0 : index
    %get3A_22 = arith.constant 0 : index
    %get3A_23 = vector.load %arg1[%get3A_21, %get3A_22] : memref<512x128xf32, #tpu.memory_space<vmem>>, vector<512x128xf32>
    %mul3A_24 = vector.broadcast %div3A_15 : vector<1x128xf32> to vector<512x128xf32>
    %mul3A_25 = arith.mulf %get3A_23, %mul3A_24 : vector<512x128xf32>
    %add3A_26 = vector.broadcast %sub3A_20 : vector<1x128xf32> to vector<512x128xf32>
    %add3A_27 = arith.addf %mul3A_25, %add3A_26 : vector<512x128xf32>
    %max3A = arith.constant 0.000000e+00 : f32
    %max3A_28 = vector.broadcast %max3A : f32 to vector<512x128xf32>
    %max3A_29 = arith.maximumf %add3A_27, %max3A_28 : vector<512x128xf32>
    %swap3A = arith.constant 0 : index
    %swap3A_30 = arith.constant 0 : index
    %swap3A_31 = vector.load %arg5[%swap3A, %swap3A_30] : memref<512x128xf32, #tpu.memory_space<vmem>>, vector<512x128xf32>
    tpu.vector_store %arg5[%swap3A, %swap3A_30], %max3A_29 {strides = array<i32>} : memref<512x128xf32, #tpu.memory_space<vmem>>, vector<512x128xf32>,
    return
  }
  func.func @transform_0(%arg0: i32) -> (i32, i32) {
    %c0_i32 = arith.constant 0 : i32
    %c0_i32_0 = arith.constant 0 : i32
    return %arg0, %c0_i32 : i32, i32
  }
  func.func @transform_1(%arg0: i32) -> (i32, i32) {
    %c0_i32 = arith.constant 0 : i32
    %c0_i32_0 = arith.constant 0 : i32
    %c0_i32_1 = arith.constant 0 : i32
    return %c0_i32, %c0_i32_0 : i32, i32
  }
  func.func @transform_2(%arg0: i32) -> (i32, i32) {
    %c0_i32 = arith.constant 0 : i32
    %c0_i32_0 = arith.constant 0 : i32
    %c0_i32_1 = arith.constant 0 : i32
    return %c0_i32, %c0_i32_0 : i32, i32
  }
  func.func @transform_3(%arg0: i32) -> (i32, i32) {
    %c0_i32 = arith.constant 0 : i32
    %c0_i32_0 = arith.constant 0 : i32
    %c0_i32_1 = arith.constant 0 : i32
    return %c0_i32, %c0_i32_0 : i32, i32
  }
  func.func @transform_4(%arg0: i32) -> (i32, i32) {
    %c0_i32 = arith.constant 0 : i32
    %c0_i32_0 = arith.constant 0 : i32
    return %arg0, %c0_i32 : i32, i32
  }
}

module attributes {stable_mosaic.version = 14 : i64} {
  func.func @_fps_body(%arg0: memref<4x8192xf32, #tpu.memory_space<vmem>>, %arg1: memref<4x8192xf32, #tpu.memory_space<vmem>>, %arg2: memref<4x8192xf32, #tpu.memory_space<vmem>>, %arg3: memref<4x2048xf32, #tpu.memory_space<vmem>>, %arg4: memref<4x2048xf32, #tpu.memory_space<vmem>>, %arg5: memref<4x2048xf32, #tpu.memory_space<vmem>>, %arg6: memref<4x8192xf32, #tpu.memory_space<vmem>>) attributes {dimension_semantics = [], scalar_prefetch = 0 : i64, scratch_operands = 1 : i64, tpu.core_type = #tpu.core_type<tc>} {
    %iota3A = tpu.iota {dimensions = array<i32: 1>} : vector<4x8192xi32>
    %iota3A_0 = tpu.iota {dimensions = array<i32: 1>} : vector<4x2048xi32>
    %get3A = arith.constant 0 : index
    %get3A_1 = arith.constant 0 : index
    %get3A_2 = vector.load %arg0[%get3A, %get3A_1] : memref<4x8192xf32, #tpu.memory_space<vmem>>, vector<4x8192xf32>
    %get3A_3 = arith.constant 0 : index
    %get3A_4 = arith.constant 0 : index
    %get3A_5 = vector.load %arg1[%get3A_3, %get3A_4] : memref<4x8192xf32, #tpu.memory_space<vmem>>, vector<4x8192xf32>
    %get3A_6 = arith.constant 0 : index
    %get3A_7 = arith.constant 0 : index
    %get3A_8 = vector.load %arg2[%get3A_6, %get3A_7] : memref<4x8192xf32, #tpu.memory_space<vmem>>, vector<4x8192xf32>
    %broadcast_in_dim3A = arith.constant 0x7F800000 : f32
    %broadcast_in_dim3A_9 = vector.broadcast %broadcast_in_dim3A : f32 to vector<4x8192xf32>
    %swap3A = arith.constant 0 : index
    %swap3A_10 = arith.constant 0 : index
    %swap3A_11 = vector.load %arg6[%swap3A, %swap3A_10] : memref<4x8192xf32, #tpu.memory_space<vmem>>, vector<4x8192xf32>
    tpu.vector_store %arg6[%swap3A, %swap3A_10], %broadcast_in_dim3A_9 {strides = array<i32>} : memref<4x8192xf32, #tpu.memory_space<vmem>>, vector<4x8192xf32>,
    %broadcast_in_dim3A_12 = arith.constant 0.000000e+00 : f32
    %broadcast_in_dim3A_13 = vector.broadcast %broadcast_in_dim3A_12 : f32 to vector<4x2048xf32>
    %swap3A_14 = arith.constant 0 : index
    %swap3A_15 = arith.constant 0 : index
    %swap3A_16 = vector.load %arg3[%swap3A_14, %swap3A_15] : memref<4x2048xf32, #tpu.memory_space<vmem>>, vector<4x2048xf32>
    tpu.vector_store %arg3[%swap3A_14, %swap3A_15], %broadcast_in_dim3A_13 {strides = array<i32>} : memref<4x2048xf32, #tpu.memory_space<vmem>>, vector<4x2048xf32>,
    %broadcast_in_dim3A_17 = arith.constant 0.000000e+00 : f32
    %broadcast_in_dim3A_18 = vector.broadcast %broadcast_in_dim3A_17 : f32 to vector<4x2048xf32>
    %swap3A_19 = arith.constant 0 : index
    %swap3A_20 = arith.constant 0 : index
    %swap3A_21 = vector.load %arg4[%swap3A_19, %swap3A_20] : memref<4x2048xf32, #tpu.memory_space<vmem>>, vector<4x2048xf32>
    tpu.vector_store %arg4[%swap3A_19, %swap3A_20], %broadcast_in_dim3A_18 {strides = array<i32>} : memref<4x2048xf32, #tpu.memory_space<vmem>>, vector<4x2048xf32>,
    %broadcast_in_dim3A_22 = arith.constant 0.000000e+00 : f32
    %broadcast_in_dim3A_23 = vector.broadcast %broadcast_in_dim3A_22 : f32 to vector<4x2048xf32>
    %swap3A_24 = arith.constant 0 : index
    %swap3A_25 = arith.constant 0 : index
    %swap3A_26 = vector.load %arg5[%swap3A_24, %swap3A_25] : memref<4x2048xf32, #tpu.memory_space<vmem>>, vector<4x2048xf32>
    tpu.vector_store %arg5[%swap3A_24, %swap3A_25], %broadcast_in_dim3A_23 {strides = array<i32>} : memref<4x2048xf32, #tpu.memory_space<vmem>>, vector<4x2048xf32>,
    %broadcast_in_dim3A_27 = arith.constant 0 : i32
    %broadcast_in_dim3A_28 = vector.broadcast %broadcast_in_dim3A_27 : i32 to vector<4x1xi32>
    %scan3A = arith.constant 0 : i32
    %scan3A_29 = arith.constant 2048 : i32
    %scan3A_30 = arith.addi %scan3A, %scan3A_29 : i32
    %scan3A_31 = arith.constant 1 : i32
    %scan3A_32 = scf.for %scan3A_34 = %scan3A to %scan3A_30 step %scan3A_31 iter_args(%scan3A_35 = %broadcast_in_dim3A_28) -> (vector<4x1xi32>)  : i32 {
      %eq3A = vector.broadcast %scan3A_35 : vector<4x1xi32> to vector<4x8192xi32>
      %eq3A_36 = arith.cmpi eq, %iota3A, %eq3A : vector<4x8192xi32>
      %jit3A = arith.constant 0xFF800000 : f32
      %broadcast_in_dim3A_37 = vector.broadcast %jit3A : f32 to vector<4x8192xf32>
      %select_n3A = arith.select %eq3A_36, %get3A_2, %broadcast_in_dim3A_37 : vector<4x8192xi1>, vector<4x8192xf32>
      %reduce_max3A = arith.constant dense<0xFF800000> : vector<4xf32>
      %reduce_max3A_38 = vector.multi_reduction <maximumf>, %select_n3A, %reduce_max3A [1] : vector<4x8192xf32> to vector<4xf32>
      %broadcast_in_dim3A_39 = vector.shape_cast %reduce_max3A_38 : vector<4xf32> to vector<4x1xf32>
      %jit3A_40 = arith.constant 0xFF800000 : f32
      %broadcast_in_dim3A_41 = vector.broadcast %jit3A_40 : f32 to vector<4x8192xf32>
      %select_n3A_42 = arith.select %eq3A_36, %get3A_5, %broadcast_in_dim3A_41 : vector<4x8192xi1>, vector<4x8192xf32>
      %reduce_max3A_43 = arith.constant dense<0xFF800000> : vector<4xf32>
      %reduce_max3A_44 = vector.multi_reduction <maximumf>, %select_n3A_42, %reduce_max3A_43 [1] : vector<4x8192xf32> to vector<4xf32>
      %broadcast_in_dim3A_45 = vector.shape_cast %reduce_max3A_44 : vector<4xf32> to vector<4x1xf32>
      %jit3A_46 = arith.constant 0xFF800000 : f32
      %broadcast_in_dim3A_47 = vector.broadcast %jit3A_46 : f32 to vector<4x8192xf32>
      %select_n3A_48 = arith.select %eq3A_36, %get3A_8, %broadcast_in_dim3A_47 : vector<4x8192xi1>, vector<4x8192xf32>
      %reduce_max3A_49 = arith.constant dense<0xFF800000> : vector<4xf32>
      %reduce_max3A_50 = vector.multi_reduction <maximumf>, %select_n3A_48, %reduce_max3A_49 [1] : vector<4x8192xf32> to vector<4xf32>
      %broadcast_in_dim3A_51 = vector.shape_cast %reduce_max3A_50 : vector<4xf32> to vector<4x1xf32>
      %eq3A_52 = vector.broadcast %scan3A_34 : i32 to vector<4x2048xi32>
      %eq3A_53 = arith.cmpi eq, %iota3A_0, %eq3A_52 : vector<4x2048xi32>
      %get3A_54 = arith.constant 0 : index
      %get3A_55 = arith.constant 0 : index
      %get3A_56 = vector.load %arg3[%get3A_54, %get3A_55] : memref<4x2048xf32, #tpu.memory_space<vmem>>, vector<4x2048xf32>
      %broadcast_in_dim3A_57 = vector.shape_cast %broadcast_in_dim3A_39 : vector<4x1xf32> to vector<4x1xf32>
      %broadcast_in_dim3A_58 = vector.broadcast %broadcast_in_dim3A_57 : vector<4x1xf32> to vector<4x2048xf32>
      %select_n3A_59 = arith.select %eq3A_53, %broadcast_in_dim3A_58, %get3A_56 : vector<4x2048xi1>, vector<4x2048xf32>
      %swap3A_60 = arith.constant 0 : index
      %swap3A_61 = arith.constant 0 : index
      %swap3A_62 = vector.load %arg3[%swap3A_60, %swap3A_61] : memref<4x2048xf32, #tpu.memory_space<vmem>>, vector<4x2048xf32>
      tpu.vector_store %arg3[%swap3A_60, %swap3A_61], %select_n3A_59 {strides = array<i32>} : memref<4x2048xf32, #tpu.memory_space<vmem>>, vector<4x2048xf32>,
      %get3A_63 = arith.constant 0 : index
      %get3A_64 = arith.constant 0 : index
      %get3A_65 = vector.load %arg4[%get3A_63, %get3A_64] : memref<4x2048xf32, #tpu.memory_space<vmem>>, vector<4x2048xf32>
      %broadcast_in_dim3A_66 = vector.shape_cast %broadcast_in_dim3A_45 : vector<4x1xf32> to vector<4x1xf32>
      %broadcast_in_dim3A_67 = vector.broadcast %broadcast_in_dim3A_66 : vector<4x1xf32> to vector<4x2048xf32>
      %select_n3A_68 = arith.select %eq3A_53, %broadcast_in_dim3A_67, %get3A_65 : vector<4x2048xi1>, vector<4x2048xf32>
      %swap3A_69 = arith.constant 0 : index
      %swap3A_70 = arith.constant 0 : index
      %swap3A_71 = vector.load %arg4[%swap3A_69, %swap3A_70] : memref<4x2048xf32, #tpu.memory_space<vmem>>, vector<4x2048xf32>
      tpu.vector_store %arg4[%swap3A_69, %swap3A_70], %select_n3A_68 {strides = array<i32>} : memref<4x2048xf32, #tpu.memory_space<vmem>>, vector<4x2048xf32>,
      %get3A_72 = arith.constant 0 : index
      %get3A_73 = arith.constant 0 : index
      %get3A_74 = vector.load %arg5[%get3A_72, %get3A_73] : memref<4x2048xf32, #tpu.memory_space<vmem>>, vector<4x2048xf32>
      %broadcast_in_dim3A_75 = vector.shape_cast %broadcast_in_dim3A_51 : vector<4x1xf32> to vector<4x1xf32>
      %broadcast_in_dim3A_76 = vector.broadcast %broadcast_in_dim3A_75 : vector<4x1xf32> to vector<4x2048xf32>
      %select_n3A_77 = arith.select %eq3A_53, %broadcast_in_dim3A_76, %get3A_74 : vector<4x2048xi1>, vector<4x2048xf32>
      %swap3A_78 = arith.constant 0 : index
      %swap3A_79 = arith.constant 0 : index
      %swap3A_80 = vector.load %arg5[%swap3A_78, %swap3A_79] : memref<4x2048xf32, #tpu.memory_space<vmem>>, vector<4x2048xf32>
      tpu.vector_store %arg5[%swap3A_78, %swap3A_79], %select_n3A_77 {strides = array<i32>} : memref<4x2048xf32, #tpu.memory_space<vmem>>, vector<4x2048xf32>,
      %sub3A = vector.broadcast %broadcast_in_dim3A_39 : vector<4x1xf32> to vector<4x8192xf32>
      %sub3A_81 = arith.subf %get3A_2, %sub3A : vector<4x8192xf32>
      %sub3A_82 = vector.broadcast %broadcast_in_dim3A_45 : vector<4x1xf32> to vector<4x8192xf32>
      %sub3A_83 = arith.subf %get3A_5, %sub3A_82 : vector<4x8192xf32>
      %sub3A_84 = vector.broadcast %broadcast_in_dim3A_51 : vector<4x1xf32> to vector<4x8192xf32>
      %sub3A_85 = arith.subf %get3A_8, %sub3A_84 : vector<4x8192xf32>
      %mul3A = arith.mulf %sub3A_81, %sub3A_81 : vector<4x8192xf32>
      %mul3A_86 = arith.mulf %sub3A_85, %sub3A_85 : vector<4x8192xf32>
      %add3A = arith.addf %mul3A, %mul3A_86 : vector<4x8192xf32>
      %mul3A_87 = arith.mulf %sub3A_83, %sub3A_83 : vector<4x8192xf32>
      %add3A_88 = arith.addf %add3A, %mul3A_87 : vector<4x8192xf32>
      %get3A_89 = arith.constant 0 : index
      %get3A_90 = arith.constant 0 : index
      %get3A_91 = vector.load %arg6[%get3A_89, %get3A_90] : memref<4x8192xf32, #tpu.memory_space<vmem>>, vector<4x8192xf32>
      %min3A = arith.minimumf %get3A_91, %add3A_88 : vector<4x8192xf32>
      %swap3A_92 = arith.constant 0 : index
      %swap3A_93 = arith.constant 0 : index
      %swap3A_94 = vector.load %arg6[%swap3A_92, %swap3A_93] : memref<4x8192xf32, #tpu.memory_space<vmem>>, vector<4x8192xf32>
      tpu.vector_store %arg6[%swap3A_92, %swap3A_93], %min3A {strides = array<i32>} : memref<4x8192xf32, #tpu.memory_space<vmem>>, vector<4x8192xf32>,
      %reduce_max3A_95 = arith.constant dense<0xFF800000> : vector<4xf32>
      %reduce_max3A_96 = vector.multi_reduction <maximumf>, %min3A, %reduce_max3A_95 [1] : vector<4x8192xf32> to vector<4xf32>
      %broadcast_in_dim3A_97 = vector.shape_cast %reduce_max3A_96 : vector<4xf32> to vector<4x1xf32>
      %eq3A_98 = vector.broadcast %broadcast_in_dim3A_97 : vector<4x1xf32> to vector<4x8192xf32>
      %eq3A_99 = arith.cmpf oeq, %min3A, %eq3A_98 : vector<4x8192xf32>
      %jit3A_100 = arith.constant 8192 : i32
      %broadcast_in_dim3A_101 = vector.broadcast %jit3A_100 : i32 to vector<4x8192xi32>
      %select_n3A_102 = arith.select %eq3A_99, %iota3A, %broadcast_in_dim3A_101 : vector<4x8192xi1>, vector<4x8192xi32>
      %reduce_min3A = arith.constant dense<2147483647> : vector<4xi32>
      %reduce_min3A_103 = vector.multi_reduction <minsi>, %select_n3A_102, %reduce_min3A [1] : vector<4x8192xi32> to vector<4xi32>
      %broadcast_in_dim3A_104 = vector.shape_cast %reduce_min3A_103 : vector<4xi32> to vector<4x1xi32>
      scf.yield %broadcast_in_dim3A_104 : vector<4x1xi32>
    }
    %scan3A_33 = arith.constant 2048 : i32
    return
  }
}

module attributes {stable_mosaic.version = 14 : i64} {
  func.func @_mlp_body(%arg0: i32, %arg1: memref<512x128xf32, #tpu.memory_space<vmem>>, %arg2: memref<128x128xf32, #tpu.memory_space<vmem>>, %arg3: memref<512x128xf32, #tpu.memory_space<vmem>>, %arg4: memref<8x128xf32, #tpu.memory_space<vmem>>, %arg5: memref<8x128xf32, #tpu.memory_space<vmem>>) attributes {dimension_semantics = [#tpu.dimension_semantics<arbitrary>], iteration_bounds = array<i64: 64>, scalar_prefetch = 0 : i64, scratch_operands = 1 : i64, tpu.core_type = #tpu.core_type<tc>, window_params = [{transform_indices = @transform_0, window_bounds = array<i64: 512, 128>}, {pipeline_mode = #tpu.pipeline_mode<synchronous>, transform_indices = @transform_1, window_bounds = array<i64: 128, 128>}, {transform_indices = @transform_2, window_bounds = array<i64: 512, 128>}, {pipeline_mode = #tpu.pipeline_mode<synchronous>, transform_indices = @transform_3, window_bounds = array<i64: 8, 128>}]} {
    %eq3A = arith.constant 0 : i32
    %eq3A_0 = arith.cmpi eq, %arg0, %eq3A : i32
    %convert_element_type3A = arith.extui %eq3A_0 : i1 to i32
    %cond3A = arith.constant 0 : i32
    %cond3A_1 = arith.cmpi ne, %convert_element_type3A, %cond3A : i32
    scf.if %cond3A_1 {
      %broadcast_in_dim3A_32 = arith.constant 0.000000e+00 : f32
      %broadcast_in_dim3A_33 = vector.broadcast %broadcast_in_dim3A_32 : f32 to vector<8x128xf32>
      %swap3A_34 = arith.constant 0 : index
      %swap3A_35 = arith.constant 0 : index
      %swap3A_36 = vector.load %arg5[%swap3A_34, %swap3A_35] : memref<8x128xf32, #tpu.memory_space<vmem>>, vector<8x128xf32>
      tpu.vector_store %arg5[%swap3A_34, %swap3A_35], %broadcast_in_dim3A_33 {strides = array<i32>} : memref<8x128xf32, #tpu.memory_space<vmem>>, vector<8x128xf32>,
    } else {
    }
    %get3A = arith.constant 0 : index
    %get3A_2 = arith.constant 0 : index
    %get3A_3 = vector.load %arg1[%get3A, %get3A_2] : memref<512x128xf32, #tpu.memory_space<vmem>>, vector<512x128xf32>
    %get3A_4 = arith.constant 0 : index
    %get3A_5 = arith.constant 0 : index
    %get3A_6 = vector.load %arg2[%get3A_4, %get3A_5] : memref<128x128xf32, #tpu.memory_space<vmem>>, vector<128x128xf32>
    %dot_general3A = arith.constant dense<0.000000e+00> : vector<512x128xf32>
    %dot_general3A_7 = tpu.matmul %get3A_3, %get3A_6, %dot_general3A {dimension_numbers = #tpu.dot_dimension_numbers<[1], [0], [0], [1], [0, 0, 1, 1], [], []>, transpose_lhs_hint = false} : vector<512x128xf32>, vector<128x128xf32>, vector<512x128xf32> -> vector<512x128xf32>
    %swap3A = arith.constant 0 : index
    %swap3A_8 = arith.constant 0 : index
    %swap3A_9 = vector.load %arg3[%swap3A, %swap3A_8] : memref<512x128xf32, #tpu.memory_space<vmem>>, vector<512x128xf32>
    tpu.vector_store %arg3[%swap3A, %swap3A_8], %dot_general3A_7 {strides = array<i32>} : memref<512x128xf32, #tpu.memory_space<vmem>>, vector<512x128xf32>,
    %get3A_10 = arith.constant 0 : index
    %get3A_11 = arith.constant 0 : index
    %get3A_12 = vector.load %arg5[%get3A_10, %get3A_11] : memref<8x128xf32, #tpu.memory_space<vmem>>, vector<1x128xf32>
    %reduce_sum3A = arith.constant dense<0.000000e+00> : vector<128xf32>
    %reduce_sum3A_13 = vector.multi_reduction <add>, %dot_general3A_7, %reduce_sum3A [0] : vector<512x128xf32> to vector<128xf32>
    %broadcast_in_dim3A = vector.shape_cast %reduce_sum3A_13 : vector<128xf32> to vector<1x128xf32>
    %add3A = arith.addf %get3A_12, %broadcast_in_dim3A : vector<1x128xf32>
    %swap3A_14 = arith.constant 0 : index
    %swap3A_15 = arith.constant 0 : index
    %swap3A_16 = vector.load %arg5[%swap3A_14, %swap3A_15] : memref<8x128xf32, #tpu.memory_space<vmem>>, vector<1x128xf32>
    tpu.vector_store %arg5[%swap3A_14, %swap3A_15], %add3A {strides = array<i32>} : memref<8x128xf32, #tpu.memory_space<vmem>>, vector<1x128xf32>,
    %get3A_17 = arith.constant 1 : index
    %get3A_18 = arith.constant 0 : index
    %get3A_19 = vector.load %arg5[%get3A_17, %get3A_18] : memref<8x128xf32, #tpu.memory_space<vmem>>, vector<1x128xf32>
    %mul3A = arith.mulf %dot_general3A_7, %dot_general3A_7 : vector<512x128xf32>
    %reduce_sum3A_20 = arith.constant dense<0.000000e+00> : vector<128xf32>
    %reduce_sum3A_21 = vector.multi_reduction <add>, %mul3A, %reduce_sum3A_20 [0] : vector<512x128xf32> to vector<128xf32>
    %broadcast_in_dim3A_22 = vector.shape_cast %reduce_sum3A_21 : vector<128xf32> to vector<1x128xf32>
    %add3A_23 = arith.addf %get3A_19, %broadcast_in_dim3A_22 : vector<1x128xf32>
    %swap3A_24 = arith.constant 1 : index
    %swap3A_25 = arith.constant 0 : index
    %swap3A_26 = vector.load %arg5[%swap3A_24, %swap3A_25] : memref<8x128xf32, #tpu.memory_space<vmem>>, vector<1x128xf32>
    tpu.vector_store %arg5[%swap3A_24, %swap3A_25], %add3A_23 {strides = array<i32>} : memref<8x128xf32, #tpu.memory_space<vmem>>, vector<1x128xf32>,
    %eq3A_27 = arith.constant 63 : i32
    %eq3A_28 = arith.cmpi eq, %arg0, %eq3A_27 : i32
    %convert_element_type3A_29 = arith.extui %eq3A_28 : i1 to i32
    %cond3A_30 = arith.constant 0 : i32
    %cond3A_31 = arith.cmpi ne, %convert_element_type3A_29, %cond3A_30 : i32
    scf.if %cond3A_31 {
      %get3A_32 = arith.constant 0 : index
      %get3A_33 = arith.constant 0 : index
      %get3A_34 = vector.load %arg5[%get3A_32, %get3A_33] : memref<8x128xf32, #tpu.memory_space<vmem>>, vector<8x128xf32>
      %swap3A_35 = arith.constant 0 : index
      %swap3A_36 = arith.constant 0 : index
      %swap3A_37 = vector.load %arg4[%swap3A_35, %swap3A_36] : memref<8x128xf32, #tpu.memory_space<vmem>>, vector<8x128xf32>
      tpu.vector_store %arg4[%swap3A_35, %swap3A_36], %get3A_34 {strides = array<i32>} : memref<8x128xf32, #tpu.memory_space<vmem>>, vector<8x128xf32>,
    } else {
    }
    return
  }
  func.func @transform_0(%arg0: i32) -> (i32, i32) {
    %c0_i32 = arith.constant 0 : i32
    %c0_i32_0 = arith.constant 0 : i32
    return %arg0, %c0_i32 : i32, i32
  }
  func.func @transform_1(%arg0: i32) -> (i32, i32) {
    %c0_i32 = arith.constant 0 : i32
    %c0_i32_0 = arith.constant 0 : i32
    %c0_i32_1 = arith.constant 0 : i32
    return %c0_i32, %c0_i32_0 : i32, i32
  }
  func.func @transform_2(%arg0: i32) -> (i32, i32) {
    %c0_i32 = arith.constant 0 : i32
    %c0_i32_0 = arith.constant 0 : i32
    return %arg0, %c0_i32 : i32, i32
  }
  func.func @transform_3(%arg0: i32) -> (i32, i32) {
    %c0_i32 = arith.constant 0 : i32
    %c0_i32_0 = arith.constant 0 : i32
    %c0_i32_1 = arith.constant 0 : i32
    return %c0_i32, %c0_i32_0 : i32, i32
  }
}

module attributes {stable_mosaic.version = 14 : i64} {
  func.func @_knn_body(%arg0: i32, %arg1: i32, %arg2: memref<1x8192x128xf32, #tpu.memory_space<vmem>>, %arg3: memref<1x8192x128xf32, #tpu.memory_space<vmem>>, %arg4: memref<1x8192x128xf32, #tpu.memory_space<vmem>>, %arg5: memref<1x1x128xf32, #tpu.memory_space<vmem>>, %arg6: memref<1x1x128xf32, #tpu.memory_space<vmem>>, %arg7: memref<1x1x128xf32, #tpu.memory_space<vmem>>, %arg8: memref<1x16x128xi32, #tpu.memory_space<vmem>>, %arg9: memref<8192x128xf32, #tpu.memory_space<vmem>>) attributes {dimension_semantics = [#tpu.dimension_semantics<arbitrary>, #tpu.dimension_semantics<arbitrary>], iteration_bounds = array<i64: 4, 16>, scalar_prefetch = 0 : i64, scratch_operands = 1 : i64, tpu.core_type = #tpu.core_type<tc>, window_params = [{transform_indices = @transform_0, window_bounds = array<i64: 1, 8192, 128>}, {transform_indices = @transform_1, window_bounds = array<i64: 1, 8192, 128>}, {transform_indices = @transform_2, window_bounds = array<i64: 1, 8192, 128>}, {transform_indices = @transform_3, window_bounds = array<i64: 1, 1, 128>}, {transform_indices = @transform_4, window_bounds = array<i64: 1, 1, 128>}, {transform_indices = @transform_5, window_bounds = array<i64: 1, 1, 128>}, {transform_indices = @transform_6, window_bounds = array<i64: 1, 16, 128>}]} {
    %get3A = arith.constant 0 : index
    %get3A_0 = arith.constant 0 : index
    %get3A_1 = arith.constant 0 : index
    %get3A_2 = vector.load %arg5[%get3A, %get3A_0, %get3A_1] : memref<1x1x128xf32, #tpu.memory_space<vmem>>, vector<1x1x128xf32>
    %get3A_3 = vector.shape_cast %get3A_2 : vector<1x1x128xf32> to vector<1x128xf32>
    %get3A_4 = arith.constant 0 : index
    %get3A_5 = arith.constant 0 : index
    %get3A_6 = arith.constant 0 : index
    %get3A_7 = vector.load %arg6[%get3A_4, %get3A_5, %get3A_6] : memref<1x1x128xf32, #tpu.memory_space<vmem>>, vector<1x1x128xf32>
    %get3A_8 = vector.shape_cast %get3A_7 : vector<1x1x128xf32> to vector<1x128xf32>
    %get3A_9 = arith.constant 0 : index
    %get3A_10 = arith.constant 0 : index
    %get3A_11 = arith.constant 0 : index
    %get3A_12 = vector.load %arg7[%get3A_9, %get3A_10, %get3A_11] : memref<1x1x128xf32, #tpu.memory_space<vmem>>, vector<1x1x128xf32>
    %get3A_13 = vector.shape_cast %get3A_12 : vector<1x1x128xf32> to vector<1x128xf32>
    %iota3A = tpu.iota {dimensions = array<i32: 0>} : vector<2048x128xi32>
    %iota3A_14 = tpu.iota {dimensions = array<i32: 0>} : vector<16x128xi32>
    %mul3A = arith.constant 8192 : i32
    %mul3A_15 = arith.muli %arg0, %mul3A : i32
    %broadcast_in_dim3A = arith.constant 0x7F800000 : f32
    %broadcast_in_dim3A_16 = vector.broadcast %broadcast_in_dim3A : f32 to vector<1x128xf32>
    %broadcast_in_dim3A_17 = arith.constant 8192 : i32
    %broadcast_in_dim3A_18 = vector.broadcast %broadcast_in_dim3A_17 : i32 to vector<1x128xi32>
    %scan3A = arith.constant 0 : i32
    %scan3A_19 = arith.constant 4 : i32
    %scan3A_20 = arith.addi %scan3A, %scan3A_19 : i32
    %scan3A_21 = arith.constant 1 : i32
    %scan3A_22:2 = scf.for %scan3A_42 = %scan3A to %scan3A_20 step %scan3A_21 iter_args(%scan3A_43 = %broadcast_in_dim3A_16, %scan3A_44 = %broadcast_in_dim3A_18) -> (vector<1x128xf32>, vector<1x128xi32>)  : i32 {
      %mul3A_45 = arith.constant 2048 : i32
      %mul3A_46 = arith.muli %scan3A_42, %mul3A_45 : i32
      %get3A_47 = arith.constant 0 : index
      %get3A_48 = arith.index_cast %mul3A_46 : i32 to index
      %get3A_49 = arith.constant 0 : index
      %get3A_50 = vector.load %arg2[%get3A_47, %get3A_48, %get3A_49] : memref<1x8192x128xf32, #tpu.memory_space<vmem>>, vector<1x2048x128xf32>
      %get3A_51 = vector.shape_cast %get3A_50 : vector<1x2048x128xf32> to vector<2048x128xf32>
      %sub3A = vector.broadcast %get3A_3 : vector<1x128xf32> to vector<2048x128xf32>
      %sub3A_52 = arith.subf %get3A_51, %sub3A : vector<2048x128xf32>
      %get3A_53 = arith.constant 0 : index
      %get3A_54 = arith.index_cast %mul3A_46 : i32 to index
      %get3A_55 = arith.constant 0 : index
      %get3A_56 = vector.load %arg3[%get3A_53, %get3A_54, %get3A_55] : memref<1x8192x128xf32, #tpu.memory_space<vmem>>, vector<1x2048x128xf32>
      %get3A_57 = vector.shape_cast %get3A_56 : vector<1x2048x128xf32> to vector<2048x128xf32>
      %sub3A_58 = vector.broadcast %get3A_8 : vector<1x128xf32> to vector<2048x128xf32>
      %sub3A_59 = arith.subf %get3A_57, %sub3A_58 : vector<2048x128xf32>
      %get3A_60 = arith.constant 0 : index
      %get3A_61 = arith.index_cast %mul3A_46 : i32 to index
      %get3A_62 = arith.constant 0 : index
      %get3A_63 = vector.load %arg4[%get3A_60, %get3A_61, %get3A_62] : memref<1x8192x128xf32, #tpu.memory_space<vmem>>, vector<1x2048x128xf32>
      %get3A_64 = vector.shape_cast %get3A_63 : vector<1x2048x128xf32> to vector<2048x128xf32>
      %sub3A_65 = vector.broadcast %get3A_13 : vector<1x128xf32> to vector<2048x128xf32>
      %sub3A_66 = arith.subf %get3A_64, %sub3A_65 : vector<2048x128xf32>
      %mul3A_67 = arith.mulf %sub3A_52, %sub3A_52 : vector<2048x128xf32>
      %mul3A_68 = arith.mulf %sub3A_66, %sub3A_66 : vector<2048x128xf32>
      %add3A_69 = arith.addf %mul3A_67, %mul3A_68 : vector<2048x128xf32>
      %mul3A_70 = arith.mulf %sub3A_59, %sub3A_59 : vector<2048x128xf32>
      %add3A_71 = arith.addf %add3A_69, %mul3A_70 : vector<2048x128xf32>
      %swap3A_72 = arith.index_cast %mul3A_46 : i32 to index
      %swap3A_73 = arith.constant 0 : index
      %swap3A_74 = vector.load %arg9[%swap3A_72, %swap3A_73] : memref<8192x128xf32, #tpu.memory_space<vmem>>, vector<2048x128xf32>
      tpu.vector_store %arg9[%swap3A_72, %swap3A_73], %add3A_71 {strides = array<i32>} : memref<8192x128xf32, #tpu.memory_space<vmem>>, vector<2048x128xf32>,
      %reduce_min3A = arith.constant dense<0x7F800000> : vector<128xf32>
      %reduce_min3A_75 = vector.multi_reduction <minimumf>, %add3A_71, %reduce_min3A [0] : vector<2048x128xf32> to vector<128xf32>
      %broadcast_in_dim3A_76 = vector.shape_cast %reduce_min3A_75 : vector<128xf32> to vector<1x128xf32>
      %eq3A_77 = vector.broadcast %broadcast_in_dim3A_76 : vector<1x128xf32> to vector<2048x128xf32>
      %eq3A_78 = arith.cmpf oeq, %add3A_71, %eq3A_77 : vector<2048x128xf32>
      %mul3A_79 = arith.constant 2048 : i32
      %mul3A_80 = arith.muli %scan3A_42, %mul3A_79 : i32
      %add3A_81 = vector.broadcast %mul3A_80 : i32 to vector<2048x128xi32>
      %add3A_82 = arith.addi %iota3A, %add3A_81 : vector<2048x128xi32>
      %jit3A = arith.constant 8192 : i32
      %broadcast_in_dim3A_83 = vector.broadcast %jit3A : i32 to vector<2048x128xi32>
      %select_n3A_84 = arith.select %eq3A_78, %add3A_82, %broadcast_in_dim3A_83 : vector<2048x128xi1>, vector<2048x128xi32>
      %reduce_min3A_85 = arith.constant dense<2147483647> : vector<128xi32>
      %reduce_min3A_86 = vector.multi_reduction <minsi>, %select_n3A_84, %reduce_min3A_85 [0] : vector<2048x128xi32> to vector<128xi32>
      %broadcast_in_dim3A_87 = vector.shape_cast %reduce_min3A_86 : vector<128xi32> to vector<1x128xi32>
      %lt3A = arith.cmpf olt, %broadcast_in_dim3A_76, %scan3A_43 : vector<1x128xf32>
      %eq3A_88 = arith.cmpf oeq, %broadcast_in_dim3A_76, %scan3A_43 : vector<1x128xf32>
      %min3A = arith.minsi %scan3A_44, %broadcast_in_dim3A_87 : vector<1x128xi32>
      %select_n3A_89 = arith.select %eq3A_88, %min3A, %scan3A_44 : vector<1x128xi1>, vector<1x128xi32>
      %select_n3A_90 = arith.select %lt3A, %broadcast_in_dim3A_87, %select_n3A_89 : vector<1x128xi1>, vector<1x128xi32>
      %min3A_91 = arith.minimumf %scan3A_43, %broadcast_in_dim3A_76 : vector<1x128xf32>
      scf.yield %min3A_91, %select_n3A_90 : vector<1x128xf32>, vector<1x128xi32>
    }
    %scan3A_23 = arith.constant 4 : i32
    %eq3A = arith.constant 0 : i32
    %eq3A_24 = vector.broadcast %eq3A : i32 to vector<16x128xi32>
    %eq3A_25 = arith.cmpi eq, %iota3A_14, %eq3A_24 : vector<16x128xi32>
    %add3A = vector.broadcast %mul3A_15 : i32 to vector<1x128xi32>
    %add3A_26 = arith.addi %scan3A_22#1, %add3A : vector<1x128xi32>
    %broadcast_in_dim3A_27 = arith.constant 0 : i32
    %broadcast_in_dim3A_28 = vector.broadcast %broadcast_in_dim3A_27 : i32 to vector<16x128xi32>
    %broadcast_in_dim3A_29 = vector.shape_cast %add3A_26 : vector<1x128xi32> to vector<1x128xi32>
    %broadcast_in_dim3A_30 = vector.broadcast %broadcast_in_dim3A_29 : vector<1x128xi32> to vector<16x128xi32>
    %select_n3A = arith.select %eq3A_25, %broadcast_in_dim3A_30, %broadcast_in_dim3A_28 : vector<16x128xi1>, vector<16x128xi32>
    %scan3A_31 = arith.constant 1 : i32
    %scan3A_32 = arith.constant 15 : i32
    %scan3A_33 = arith.addi %scan3A_31, %scan3A_32 : i32
    %scan3A_34 = arith.constant 1 : i32
    %scan3A_35:2 = scf.for %scan3A_42 = %scan3A_31 to %scan3A_33 step %scan3A_34 iter_args(%scan3A_43 = %scan3A_22#1, %scan3A_44 = %select_n3A) -> (vector<1x128xi32>, vector<16x128xi32>)  : i32 {
      %scan3A_45 = arith.constant 0 : i32
      %scan3A_46 = arith.constant 4 : i32
      %scan3A_47 = arith.addi %scan3A_45, %scan3A_46 : i32
      %scan3A_48 = arith.constant 1 : i32
      %scan3A_49:2 = scf.for %scan3A_58 = %scan3A_45 to %scan3A_47 step %scan3A_48 iter_args(%scan3A_59 = %broadcast_in_dim3A_16, %scan3A_60 = %broadcast_in_dim3A_18) -> (vector<1x128xf32>, vector<1x128xi32>)  : i32 {
        %mul3A_61 = arith.constant 2048 : i32
        %mul3A_62 = arith.muli %scan3A_58, %mul3A_61 : i32
        %mul3A_63 = arith.constant 2048 : i32
        %mul3A_64 = arith.muli %scan3A_58, %mul3A_63 : i32
        %add3A_65 = vector.broadcast %mul3A_64 : i32 to vector<2048x128xi32>
        %add3A_66 = arith.addi %iota3A, %add3A_65 : vector<2048x128xi32>
        %eq3A_67 = vector.broadcast %scan3A_43 : vector<1x128xi32> to vector<2048x128xi32>
        %eq3A_68 = arith.cmpi eq, %add3A_66, %eq3A_67 : vector<2048x128xi32>
        %get3A_69 = arith.index_cast %mul3A_62 : i32 to index
        %get3A_70 = arith.constant 0 : index
        %get3A_71 = vector.load %arg9[%get3A_69, %get3A_70] : memref<8192x128xf32, #tpu.memory_space<vmem>>, vector<2048x128xf32>
        %jit3A = arith.constant 0x7F800000 : f32
        %broadcast_in_dim3A_72 = vector.broadcast %jit3A : f32 to vector<2048x128xf32>
        %select_n3A_73 = arith.select %eq3A_68, %broadcast_in_dim3A_72, %get3A_71 : vector<2048x128xi1>, vector<2048x128xf32>
        %swap3A_74 = arith.index_cast %mul3A_62 : i32 to index
        %swap3A_75 = arith.constant 0 : index
        %swap3A_76 = vector.load %arg9[%swap3A_74, %swap3A_75] : memref<8192x128xf32, #tpu.memory_space<vmem>>, vector<2048x128xf32>
        tpu.vector_store %arg9[%swap3A_74, %swap3A_75], %select_n3A_73 {strides = array<i32>} : memref<8192x128xf32, #tpu.memory_space<vmem>>, vector<2048x128xf32>,
        %reduce_min3A = arith.constant dense<0x7F800000> : vector<128xf32>
        %reduce_min3A_77 = vector.multi_reduction <minimumf>, %select_n3A_73, %reduce_min3A [0] : vector<2048x128xf32> to vector<128xf32>
        %broadcast_in_dim3A_78 = vector.shape_cast %reduce_min3A_77 : vector<128xf32> to vector<1x128xf32>
        %eq3A_79 = vector.broadcast %broadcast_in_dim3A_78 : vector<1x128xf32> to vector<2048x128xf32>
        %eq3A_80 = arith.cmpf oeq, %select_n3A_73, %eq3A_79 : vector<2048x128xf32>
        %mul3A_81 = arith.constant 2048 : i32
        %mul3A_82 = arith.muli %scan3A_58, %mul3A_81 : i32
        %add3A_83 = vector.broadcast %mul3A_82 : i32 to vector<2048x128xi32>
        %add3A_84 = arith.addi %iota3A, %add3A_83 : vector<2048x128xi32>
        %jit3A_85 = arith.constant 8192 : i32
        %broadcast_in_dim3A_86 = vector.broadcast %jit3A_85 : i32 to vector<2048x128xi32>
        %select_n3A_87 = arith.select %eq3A_80, %add3A_84, %broadcast_in_dim3A_86 : vector<2048x128xi1>, vector<2048x128xi32>
        %reduce_min3A_88 = arith.constant dense<2147483647> : vector<128xi32>
        %reduce_min3A_89 = vector.multi_reduction <minsi>, %select_n3A_87, %reduce_min3A_88 [0] : vector<2048x128xi32> to vector<128xi32>
        %broadcast_in_dim3A_90 = vector.shape_cast %reduce_min3A_89 : vector<128xi32> to vector<1x128xi32>
        %lt3A = arith.cmpf olt, %broadcast_in_dim3A_78, %scan3A_59 : vector<1x128xf32>
        %eq3A_91 = arith.cmpf oeq, %broadcast_in_dim3A_78, %scan3A_59 : vector<1x128xf32>
        %min3A = arith.minsi %scan3A_60, %broadcast_in_dim3A_90 : vector<1x128xi32>
        %select_n3A_92 = arith.select %eq3A_91, %min3A, %scan3A_60 : vector<1x128xi1>, vector<1x128xi32>
        %select_n3A_93 = arith.select %lt3A, %broadcast_in_dim3A_90, %select_n3A_92 : vector<1x128xi1>, vector<1x128xi32>
        %min3A_94 = arith.minimumf %scan3A_59, %broadcast_in_dim3A_78 : vector<1x128xf32>
        scf.yield %min3A_94, %select_n3A_93 : vector<1x128xf32>, vector<1x128xi32>
      }
      %scan3A_50 = arith.constant 4 : i32
      %eq3A_51 = vector.broadcast %scan3A_42 : i32 to vector<16x128xi32>
      %eq3A_52 = arith.cmpi eq, %iota3A_14, %eq3A_51 : vector<16x128xi32>
      %add3A_53 = vector.broadcast %mul3A_15 : i32 to vector<1x128xi32>
      %add3A_54 = arith.addi %scan3A_49#1, %add3A_53 : vector<1x128xi32>
      %broadcast_in_dim3A_55 = vector.shape_cast %add3A_54 : vector<1x128xi32> to vector<1x128xi32>
      %broadcast_in_dim3A_56 = vector.broadcast %broadcast_in_dim3A_55 : vector<1x128xi32> to vector<16x128xi32>
      %select_n3A_57 = arith.select %eq3A_52, %broadcast_in_dim3A_56, %scan3A_44 : vector<16x128xi1>, vector<16x128xi32>
      scf.yield %scan3A_49#1, %select_n3A_57 : vector<1x128xi32>, vector<16x128xi32>
    }
    %scan3A_36 = arith.constant 15 : i32
    %swap3A = arith.constant 0 : index
    %swap3A_37 = arith.constant 0 : index
    %swap3A_38 = arith.constant 0 : index
    %swap3A_39 = vector.load %arg8[%swap3A, %swap3A_37, %swap3A_38] : memref<1x16x128xi32, #tpu.memory_space<vmem>>, vector<1x16x128xi32>
    %swap3A_40 = vector.shape_cast %swap3A_39 : vector<1x16x128xi32> to vector<16x128xi32>
    %swap3A_41 = vector.shape_cast %scan3A_35#1 : vector<16x128xi32> to vector<1x16x128xi32>
    tpu.vector_store %arg8[%swap3A, %swap3A_37, %swap3A_38], %swap3A_41 {strides = array<i32>} : memref<1x16x128xi32, #tpu.memory_space<vmem>>, vector<1x16x128xi32>,
    return
  }
  func.func @transform_0(%arg0: i32, %arg1: i32) -> (i32, i32, i32) {
    %c0_i32 = arith.constant 0 : i32
    %c0_i32_0 = arith.constant 0 : i32
    %c0_i32_1 = arith.constant 0 : i32
    return %arg0, %c0_i32, %c0_i32_0 : i32, i32, i32
  }
  func.func @transform_1(%arg0: i32, %arg1: i32) -> (i32, i32, i32) {
    %c0_i32 = arith.constant 0 : i32
    %c0_i32_0 = arith.constant 0 : i32
    %c0_i32_1 = arith.constant 0 : i32
    return %arg0, %c0_i32, %c0_i32_0 : i32, i32, i32
  }
  func.func @transform_2(%arg0: i32, %arg1: i32) -> (i32, i32, i32) {
    %c0_i32 = arith.constant 0 : i32
    %c0_i32_0 = arith.constant 0 : i32
    %c0_i32_1 = arith.constant 0 : i32
    return %arg0, %c0_i32, %c0_i32_0 : i32, i32, i32
  }
  func.func @transform_3(%arg0: i32, %arg1: i32) -> (i32, i32, i32) {
    %c0_i32 = arith.constant 0 : i32
    %c0_i32_0 = arith.constant 0 : i32
    return %arg0, %c0_i32, %arg1 : i32, i32, i32
  }
  func.func @transform_4(%arg0: i32, %arg1: i32) -> (i32, i32, i32) {
    %c0_i32 = arith.constant 0 : i32
    %c0_i32_0 = arith.constant 0 : i32
    return %arg0, %c0_i32, %arg1 : i32, i32, i32
  }
  func.func @transform_5(%arg0: i32, %arg1: i32) -> (i32, i32, i32) {
    %c0_i32 = arith.constant 0 : i32
    %c0_i32_0 = arith.constant 0 : i32
    return %arg0, %c0_i32, %arg1 : i32, i32, i32
  }
  func.func @transform_6(%arg0: i32, %arg1: i32) -> (i32, i32, i32) {
    %c0_i32 = arith.constant 0 : i32
    %c0_i32_0 = arith.constant 0 : i32
    return %arg0, %c0_i32, %arg1 : i32, i32, i32
  }
}

</mosaic_0001>

<sc_bundles>
// kernel: kernel.7.cloned.1.call-start
scs
__scs_entry_jumppad:
0x0: {  	(pc) =	sbr.rel $0x88, $3  }
0x1: {  	(tag) =	ssettag $0x0;
	lr =	simm.s32 $0x1  }
0x2: {  	[smem:$0x3F9C] =	sst lr;
	_ =	strace $0xD0000000  }
0x3: {  	_ = 	snop  }
0x4: {  	_ = 	snop  }
0x5: {  	_ = 	snop  }
0x6: {  	_ = 	snop  }
0x7: {  	_ = 	snop  }
__scs_overlays_trampoline_lowered:
0x8: {  	[smem:$0x3FAB] =	sst s0  }
0x9: {  	[smem:$0x3FAC] =	sst s1  }
0xa: {  	[smem:$0x3FAD] =	sst s2  }
0xb: {  	[smem:$0x3FAE] =	sst s3  }
0xc: {  	[smem:$0x3FAF] =	sst s4  }
0xd: {  	[smem:$0x3FB0] =	sst s5  }
0xe: {  	[smem:$0x3FB1] =	sst s6  }
0xf: {  	[smem:$0x3FB2] =	sst s7  }
0x10: {  	[smem:$0x3FB3] =	sst s8  }
0x11: {  	[smem:$0x3FB4] =	sst s9;
	s0 =	simm.s32 @!p0 $0x0  }
0x12: {  	s1 =	sld [smem:$0x3F9A];
	s0 =	simm.s32 @p0 $0x1  }
0x13: {  	[smem:$0x3FB5] =	sst s0;
	s0 =	simm.s32 @!p1 $0x0  }
0x14: {  	s2 =	sld [smem:$0x3F99];
	s0 =	simm.s32 @p1 $0x1  }
0x15: {  	[smem:$0x3FB6] =	sst s0;
	s0 =	simm.s32 @!p2 $0x0  }
0x16: {  	s3 =	sld [smem:$0x3FDB];
	s0 =	simm.s32 @p2 $0x1  }
0x17: {  	s4 =	simm.s32 $0x1BF5;
	[smem:$0x3FB8] =	sst s0  }
0x18: {  	s0 =	sld [smem:$0x3F9B];
	_ =	swait.ge [sflag:s4], $0x0  }
0x19: {  	s7 =	sld [smem:$0x3F9C]  }
0x1a: {  	s8 =	sadd.s32 $0xFFFFE003, lr  }
0x1b: {  	s9 =	sadd.s32 $0xFFFFFEF7, lr;
	s5 =	simm.s32 $0xFFFFFFFF;
	p2 =	slt.u32 s8, $0xFFFFF086  }
0x1c: {  	p1 =	slt.u32 s9, $0xF7A;
	s5 =	simm.s32 @!p2 $0x0  }
0x1d: {  	s5 =	simm.s32 @p1 $0x1;
	p0 =	seq.s32 s7, s2  }
0x1e: {  	s7 =	smul.u32 @!p0 $0xF7A, s2;
	p2 =	seq.s32 @!p0 s5, $0x0  }
0x1f: {  	s9 =	smul.u32 $0xF7A, s1;
	s8 =	simm.s32 @!p0 $0x1BF5;
	p2 =	por !p2, p0  }
0x20: {  	[sflag:s8] =	ssyncset.s32 @!p0 $0xFFFFF086;
	s6 =	sadd.s32 @!p0 s3, s7;
	s7 =	simm.s32 @!p0 $0x108  }
0x21: {  	s3 =	sadd.s32 s3, s9;
	s6 =	sadd.s32 @!p0 $0x88, s6;
	s7 =	simm.s32 @p2 $0x1082  }
0x22: {  	[simem:s7], [sflag:s8] =	dma.local @!p0 [hbm:s6], $0xF7A  }
0x23: {  	s9 =	sor.u32 $0xD0000000, s2;
	s6 =	simm.s32 $0x108;
	_ =	swait.ge @!p0 [sflag:s8], $0x0  }
0x24: {  	s3 =	sadd.s32 $0x88, s3;
	s6 =	simm.s32 @!p1 $0x1082;
	[sflag:s4] =	ssyncset.s32 $0xFFFFF086  }
0x25: {  	[simem:s6], [sflag:s4] =	dma.local [hbm:s3], $0xF7A  }
0x26: {  	[smem:$0x3F9C] =	sst s1;
	(tag) =	ssettag s2;
	_ =	strace s9  }
0x27: {  	s1 =	sld [smem:$0x3FAC]  }
0x28: {  	s2 =	sld [smem:$0x3FAD]  }
0x29: {  	s4 =	sld [smem:$0x3FAF]  }
0x2a: {  	p0 =	seq.s32 s5, $0x0;
	s5 =	sld [smem:$0x3FB0]  }
0x2b: {  	s6 =	sld [smem:$0x3FB1]  }
0x2c: {  	s7 =	sld [smem:$0x3FB2]  }
0x2d: {  	s3 =	simm.s32 $0x108;
	s8 =	sld [smem:$0x3FB3]  }
0x2e: {  	s3 =	simm.s32 @!p0 $0x1082;
	s9 =	sld [smem:$0x3FB4]  }
0x2f: {  	lr =	sadd.s32 s0, s3;
	s0 =	sld [smem:$0x3FAB]  }
0x30: {  	s3 =	sld [smem:$0x3FAE]  }
0x31: {  	[smem:$0x3FB7] =	sst s10  }
0x32: {  	s10 =	sld [smem:$0x3FB5];
	_ =	sdelay $0x3  }
0x33: {  	p0 =	seq.s32 s10, $0x1;
	s10 =	sld [smem:$0x3FB7];
	_ =	sdelay $0x3  }
0x34: {  	[smem:$0x3FB7] =	sst s10  }
0x35: {  	s10 =	sld [smem:$0x3FB6];
	_ =	sdelay $0x3  }
0x36: {  	p1 =	seq.s32 s10, $0x1;
	s10 =	sld [smem:$0x3FB7];
	_ =	sdelay $0x3  }
0x37: {  	[smem:$0x3FB7] =	sst s10  }
0x38: {  	s10 =	sld [smem:$0x3FB8]  }
0x39: {  	_ = 	snop;
	(pc) =	sbr.ind lr, $3  }
0x3a: {  	_ = 	snop  }
0x3b: {  	_ = 	snop  }
0x3c: {  	p2 =	seq.s32 s10, $0x1;
	s10 =	sld [smem:$0x3FB7]  }
0x3d: {  	_ =	shalt  }
0x3e: {  	_ =	shalt  }
0x3f: {  	_ =	shalt  }
0x40: {  	_ =	shalt  }
0x41: {  	_ =	shalt  }
0x42: {  	_ =	shalt  }
0x43: {  	_ =	shalt  }
0x44: {  	_ =	shalt  }
0x45: {  	_ =	shalt  }
0x46: {  	_ =	shalt  }
0x47: {  	_ =	shalt  }
0x48: {  	_ =	shalt  }
0x49: {  	_ =	shalt  }
0x4a: {  	_ =	shalt  }
0x4b: {  	_ =	shalt  }
0x4c: {  	_ =	shalt  }
0x4d: {  	_ =	shalt  }
0x4e: {  	_ =	shalt  }
0x4f: {  	_ =	shalt  }
0x50: {  	_ =	shalt  }
0x51: {  	_ =	shalt  }
0x52: {  	_ =	shalt  }
0x53: {  	_ =	shalt  }
0x54: {  	_ =	shalt  }
0x55: {  	_ =	shalt  }
0x56: {  	_ =	shalt  }
0x57: {  	_ =	shalt  }
0x58: {  	_ =	shalt  }
0x59: {  	_ =	shalt  }
0x5a: {  	_ =	shalt  }
0x5b: {  	_ =	shalt  }
0x5c: {  	_ =	shalt  }
0x5d: {  	_ =	shalt  }
0x5e: {  	_ =	shalt  }
0x5f: {  	_ =	shalt  }
0x60: {  	_ =	shalt  }
0x61: {  	_ =	shalt  }
0x62: {  	_ =	shalt  }
0x63: {  	_ =	shalt  }
0x64: {  	_ =	shalt  }
0x65: {  	_ =	shalt  }
0x66: {  	_ =	shalt  }
0x67: {  	_ =	shalt  }
0x68: {  	_ =	shalt  }
0x69: {  	_ =	shalt  }
0x6a: {  	_ =	shalt  }
0x6b: {  	_ =	shalt  }
0x6c: {  	_ =	shalt  }
0x6d: {  	_ =	shalt  }
0x6e: {  	_ =	shalt  }
0x6f: {  	_ =	shalt  }
0x70: {  	_ =	shalt  }
0x71: {  	_ =	shalt  }
0x72: {  	_ =	shalt  }
0x73: {  	_ =	shalt  }
0x74: {  	_ =	shalt  }
0x75: {  	_ =	shalt  }
0x76: {  	_ =	shalt  }
0x77: {  	_ =	shalt  }
0x78: {  	_ =	shalt  }
0x79: {  	_ =	shalt  }
0x7a: {  	_ =	shalt  }
0x7b: {  	_ =	shalt  }
0x7c: {  	_ =	shalt  }
0x7d: {  	_ =	shalt  }
0x7e: {  	_ =	shalt  }
0x7f: {  	_ =	shalt  }
0x80: {  	_ =	shalt  }
0x81: {  	_ =	shalt  }
0x82: {  	_ =	shalt  }
0x83: {  	_ =	shalt  }
0x84: {  	_ =	shalt  }
0x85: {  	_ =	shalt  }
0x86: {  	_ =	shalt  }
0x87: {  	_ =	shalt  }
.Lfunc_end0:
.L_simem_size_0:
called_computation_lowered:
.L_overlay_start_0:
0x88: {  	s2 =	sld [smem:$0x3FD9]  }
0x89: {  	s3 =	sld [smem:$0x3FFE];
	_ =	sdelay $0x1  }
0x8a: {  	s1 =	srdreg.scid  }
0x8b: {  	s0 =	sand.u32 $0x1, s1  }
0x8c: {  	s14 =	sshll.u32 s0, $0xA;
	s2 =	sadd.s32 s3, s2  }
0x8d: {  	s2 =	sadd.s32 s2, s14  }
0x8e: {  	[smem:$0x3FC3] =	sst s2  }
0x8f: {  	_ = 	snop  }
0x90: {  	s2 =	sld [smem:$0x3FD0];
	_ =	sdelay $0x2  }
0x91: {  	s15 =	simm.s32 $0xA;
	s4 =	simm.s32 $0x10  }
0x92: {  	[smem:s4], [sflag:s15] =	dma.local [hbm:s2], $0x1  }
0x93: {  	_ =	swait.eq [sflag:s15], $0x1  }
0x94: {  	[sflag:s15] =	ssyncset.done $0x0  }
0x95: {  	[sflag:s15] =	ssyncadd.s32 $0xFFFFFFFF  }
0x96: {  	s16 =	sld [smem:$0x10];
	(tm) =	ssettm $0x1  }
0x97: {  	s17 =	sld [smem:$0x3FFB];
	_ =	sdelay $0x3  }
0x98: {  	_ =	strace s17  }
0x99: {  	s3 =	sld [smem:$0x3FFC];
	_ =	sdelay $0x3  }
0x9a: {  	_ =	strace s3  }
0x9b: {  	s3 =	sld [smem:$0x3FFD];
	_ =	sdelay $0x3  }
0x9c: {  	_ =	strace s3  }
0x9d: {  	_ =	strace $0x8FFFFFFF  }
0x9e: {  	s18 =	sld [smem:$0x3FDB];
	_ =	sdelay $0x1  }
0x9f: {  	s19 =	simm.s32 $_scs_section_size  }
0xa0: {  	s5 =	simm.s32 $_size__tile_overlayer_lowered;
	s6 =	simm.s32 $_tile_overlayer_lowered  }
0xa1: {  	s22 =	simm.s32 $0x1BFF;
	s21 =	sshll.u32 s6, $0x1;
	s3 =	sadd.s32 s19, s18  }
0xa2: {  	s7 =	simm.s32 $0x0;
	s20 =	sshll.u32 s5, $0x1;
	s5 =	sadd.s32 s21, s3  }
0xa3: {  	[timem:s7], [sflag:s22] =	dma.local [hbm:s5], s20  }
0xa4: {  	_ =	swait.ge [sflag:s22], s20  }
0xa5: {  	s4 =	ssub.s32 $0x0, s20;
	[sflag:s22] =	ssyncset.done $0x0  }
0xa6: {  	[sflag:s22] =	ssyncadd.s32 s4;
	_ =	sdelay $0x1  }
0xa7: {  	s23 =	simm.s32 $0x1B8B  }
0xa8: {  	_ =	swait.ge [sflag:s23], $0x1  }
0xa9: {  	[sflag:s23] =	ssyncset.done $0x0  }
0xaa: {  	s25 =	simm.s32 $0x1B8E;
	s24 =	sld [smem:$0x3FFE];
	[sflag:s23] =	ssyncadd.s32 $0xFFFFFFFF  }
0xab: {  	s26 =	simm.s32 $execute0_lowered;
	[smem:$0x3FD2] =	sst s25  }
0xac: {  	s5 =	sshll.u32 s26, $0x1;
	_ =	strace $0x80000046;
	[dreg:$0x1] =	wrdreg $0xFFFFFFFF  }
0xad: {  	s28 =	simm.s32 $_size_execute0_lowered;
	s3 =	sadd.s32 s3, s5;
	[dreg:$0x0] =	wrdreg $0x0  }
0xae: {  	s5 =	sshll.u32 s28, $0x1;
	[dreg:$0x2] =	wrdreg s3  }
0xaf: {  	[dreg:$0x3] =	wrdreg s5  }
0xb0: {  	[dreg:$0x4] =	wrdreg $0xC0  }
0xb1: {  	_ =	task [dreg:s7], $0x5FFFF  }
0xb2: {  	[dreg:$0x1] =	wrdreg $0xFFFFFFFF  }
0xb3: {  	[dreg:$0x0] =	wrdreg $0x60  }
0xb4: {  	[dreg:$0x2] =	wrdreg s24  }
0xb5: {  	[dreg:$0x3] =	wrdreg s16  }
0xb6: {  	[dreg:$0x4] =	wrdreg $0x9  }
0xb7: {  	_ =	task.clear_ibuf [dreg:s7], $0x5FFFF;
	_ =	strace $0x90000046  }
0xb8: {  	s29 =	simm.s32 $0x9;
	_ =	strace $0x80000048  }
0xb9: {  	_ =	swait.ge [sflag:s29], $0x1  }
0xba: {  	[sflag:s29] =	ssyncadd.s32 $0xFFFFFFFF  }
0xbb: {  	_ =	strace $0x90000048  }
0xbc: {  	_ =	sfence  }
0xbd: {  	s30 =	sld [smem:$0x0];
	_ =	sdelay $0x2  }
0xbe: {  	s31 =	sshll.u32 s1, $0xD;
	s1 =	sshrl.u32 s1, $0x2  }
0xbf: {  	s3 =	sand.u32 $0x4000, s31;
	s1 =	sadd.s32 s1, s30  }
0xc0: {  	s0 =	sor.u32 s3, s0;
	s1 =	sshll.u32 s1, $0x11  }
0xc1: {  	s0 =	sor.u32 s1, s0  }
0xc2: {  	s0 =	sadd.s32 $0x8F2B, s0  }
0xc3: {  	[sflag:s0] =	ssyncadd.remote.s32 $0x1  }
0xc4: {  	_ =	sfence.sel $0xFFFF  }
0xc5: {  	[dreg:$0x0] =	wrdreg $0xFFFFFFFF;
	(pc) =	sbr.abs _section_cstart, $3  }
0xc6: {  	[dreg:$0x1] =	wrdreg $0xFFFFFFFF  }
0xc7: {  	_ =	task.clear_ibuf [dreg:s7], $0x2FFFF;
	_ =	strace $0x9FFFFFFF  }
0xc8: {  	(tm) =	ssettm $0x7FFFFFFF  }
0xc9: {  	_ =	shalt  }
tec
execute0_lowered:
.L_overlay_start_1:
0x0: {  	(tag) =	ssettag $0x1  }
0x1: {  	s5 =	rddreg [dreg:$0x0]  }
0x2: {  	s2 =	rddreg [dreg:$0x1]  }
0x3: {  	s0 =	rddreg [dreg:$0x2];
	s3 =	simm.s32 $0x0;
	s1 =	stileid.u32  }
0x4: {  	s6 =	srdreg.scid;
	s10 =	simm.s32 $0x2;
	s11 =	simm.s32 $0x200  }
0x5: {  	s12 =	simm.s32 $0x800;
	s13 =	simm.s32 $0x1;
	s14 =	simm.s32 $0x10A00  }
0x6: {  	s15 =	simm.s32 $0x0;
	[smem:$0x7FF] =	sst s3;
	s4 =	sshll.u32 s1, $0xA  }
0x7: {  	s6 =	sand.u32 $0x1, s6;
	s9 =	sshll.u32 s1, $0x4;
	_ =	strace $0x80000047  }
0x8: {  	s7 =	sand.u32 $0x3000, s4;
	s4 =	sadd.s32 $0x1600, s5;
	s31 =	ssub.s32 $0x2, s6  }
0x9: {  	s6 =	sshll.u32 s6, $0x3;
	s7 =	sadd.s32 s7, s5;
	s8 =	sshrl.u32 s31, $0x1  }
0xa: {  	s5 =	sor.u32 s9, s6;
	s9 =	simm.s32 $0x4000;
	s8 =	ssub.s32 s31, s8  }
0xb: {  	s6 =	sadd.s32 $0x81600, s7;
	s7 =	smax.u32 s8, $0x1;
	s8 =	simm.s32 $0x400  }
.LBB2_1:
0xc: {  	p1 =	por $0x1, $0x1;
	s16 =	simm.s32 $0x0  }
.LBB2_2:
0xd: {  	s16 =	sor.u32 s5, s16  }
0xe: {  	s17 =	sshll.u32 s16, $0x5  }
0xf: {  	s17 =	sand.u32 $0x780, s17  }
0x10: {  	s18 =	sadd.s32 s17, s6;
	s17 =	simm.s32 $0x0  }
0x11: {  	[tilespmem:s17], [sflag:$0x2] =	stream.strided.gather [hbm4b:s18+s8], $0x800, s9, s8, $0x38;
	[tilespmem:$0x11A00] =	vst v63  }
0x12: {  	_ =	swait.ge [sflag:s10], $0x800  }
0x13: {  	[sflag:s10] =	ssyncset.done $0x0  }
0x14: {  	p0 =	por p1, p1;
	[sflag:s10] =	ssyncadd.s32 $0xFFFFF800  }
.LBB2_3:
0x15: {  	s18 =	sshll.u32 s17, $0x5  }
0x16: {  	v0 =	vld [tilespmem:s18+$0x0];
	_ =	sdelay $0x4  }
0x17: {  	[tilespmem:$0x800] =	vst v0  }
0x18: {  	v0 =	vld [tilespmem:s18+$0x10];
	_ =	sdelay $0x4  }
0x19: {  	[tilespmem:$0x810] =	vst v0  }
0x1a: {  	v0 =	vld [tilespmem:s18+$0x80];
	_ =	sdelay $0x4  }
0x1b: {  	[tilespmem:$0x820] =	vst v0  }
0x1c: {  	v0 =	vld [tilespmem:s18+$0x90];
	_ =	sdelay $0x4  }
0x1d: {  	[tilespmem:$0x830] =	vst v0  }
0x1e: {  	v0 =	vld [tilespmem:s18+$0x100];
	_ =	sdelay $0x4  }
0x1f: {  	[tilespmem:$0x840] =	vst v0  }
0x20: {  	v0 =	vld [tilespmem:s18+$0x110];
	_ =	sdelay $0x4  }
0x21: {  	[tilespmem:$0x850] =	vst v0  }
0x22: {  	v0 =	vld [tilespmem:s18+$0x180];
	_ =	sdelay $0x4  }
0x23: {  	[tilespmem:$0x860] =	vst v0  }
0x24: {  	v0 =	vld [tilespmem:s18+$0x190];
	_ =	sdelay $0x4  }
0x25: {  	[tilespmem:$0x870] =	vst v0  }
0x26: {  	v0 =	vld [tilespmem:s18+$0x200];
	_ =	sdelay $0x4  }
0x27: {  	[tilespmem:$0x880] =	vst v0  }
0x28: {  	v0 =	vld [tilespmem:s18+$0x210];
	_ =	sdelay $0x4  }
0x29: {  	[tilespmem:$0x890] =	vst v0  }
0x2a: {  	v0 =	vld [tilespmem:s18+$0x280];
	_ =	sdelay $0x4  }
0x2b: {  	[tilespmem:$0x8A0] =	vst v0  }
0x2c: {  	v0 =	vld [tilespmem:s18+$0x290];
	_ =	sdelay $0x4  }
0x2d: {  	[tilespmem:$0x8B0] =	vst v0  }
0x2e: {  	v0 =	vld [tilespmem:s18+$0x300];
	_ =	sdelay $0x4  }
0x2f: {  	[tilespmem:$0x8C0] =	vst v0  }
0x30: {  	v0 =	vld [tilespmem:s18+$0x310];
	_ =	sdelay $0x4  }
0x31: {  	[tilespmem:$0x8D0] =	vst v0  }
0x32: {  	v0 =	vld [tilespmem:s18+$0x380];
	_ =	sdelay $0x4  }
0x33: {  	[tilespmem:$0x8E0] =	vst v0  }
0x34: {  	v0 =	vld [tilespmem:s18+$0x390];
	_ =	sdelay $0x4  }
0x35: {  	[tilespmem:$0x8F0] =	vst v0  }
0x36: {  	v0 =	vld [tilespmem:s18+$0x400];
	_ =	sdelay $0x4  }
0x37: {  	[tilespmem:$0x900] =	vst v0  }
0x38: {  	v0 =	vld [tilespmem:s18+$0x410];
	_ =	sdelay $0x4  }
0x39: {  	[tilespmem:$0x910] =	vst v0  }
0x3a: {  	v0 =	vld [tilespmem:s18+$0x480];
	_ =	sdelay $0x4  }
0x3b: {  	[tilespmem:$0x920] =	vst v0  }
0x3c: {  	v0 =	vld [tilespmem:s18+$0x490];
	_ =	sdelay $0x4  }
0x3d: {  	[tilespmem:$0x930] =	vst v0  }
0x3e: {  	v0 =	vld [tilespmem:s18+$0x500];
	_ =	sdelay $0x4  }
0x3f: {  	[tilespmem:$0x940] =	vst v0  }
0x40: {  	v0 =	vld [tilespmem:s18+$0x510];
	_ =	sdelay $0x4  }
0x41: {  	[tilespmem:$0x950] =	vst v0  }
0x42: {  	v0 =	vld [tilespmem:s18+$0x580];
	_ =	sdelay $0x4  }
0x43: {  	[tilespmem:$0x960] =	vst v0  }
0x44: {  	v0 =	vld [tilespmem:s18+$0x590];
	_ =	sdelay $0x4  }
0x45: {  	[tilespmem:$0x970] =	vst v0  }
0x46: {  	v0 =	vld [tilespmem:s18+$0x600];
	_ =	sdelay $0x4  }
0x47: {  	[tilespmem:$0x980] =	vst v0  }
0x48: {  	v0 =	vld [tilespmem:s18+$0x610];
	_ =	sdelay $0x4  }
0x49: {  	[tilespmem:$0x990] =	vst v0  }
0x4a: {  	v0 =	vld [tilespmem:s18+$0x680];
	_ =	sdelay $0x4  }
0x4b: {  	[tilespmem:$0x9A0] =	vst v0  }
0x4c: {  	v0 =	vld [tilespmem:s18+$0x690];
	_ =	sdelay $0x4  }
0x4d: {  	[tilespmem:$0x9B0] =	vst v0  }
0x4e: {  	v0 =	vld [tilespmem:s18+$0x700];
	_ =	sdelay $0x4  }
0x4f: {  	[tilespmem:$0x9C0] =	vst v0  }
0x50: {  	v0 =	vld [tilespmem:s18+$0x710];
	_ =	sdelay $0x4  }
0x51: {  	[tilespmem:$0x9D0] =	vst v0  }
0x52: {  	v0 =	vld [tilespmem:s18+$0x780];
	_ =	sdelay $0x4  }
0x53: {  	[tilespmem:$0x9E0] =	vst v0  }
0x54: {  	v0 =	vld [tilespmem:s18+$0x790];
	_ =	sdelay $0x4  }
0x55: {  	s18 =	simm.s32 $0xA00;
	[tilespmem:$0x9F0] =	vst v0  }
0x56: {  	[tilespmem:s18], [sflag:$0x1] =	stream.indirect.gather [hbm4b:s4+s11], $0x80, s12, s11, $0xb8;
	[tilespmem:$0x11A00] =	vst v63  }
0x57: {  	_ =	swait.ge [sflag:s13], $0x10000  }
0x58: {  	[sflag:s13] =	ssyncset.done $0x0  }
0x59: {  	s19 =	simm.s32 $0x10A00;
	s20 =	simm.s32 $0x0;
	[sflag:s13] =	ssyncadd.s32 $0xFFFF0000  }
.LBB2_4:
0x5a: {  	v1 =	vmov s18;
	_ =	sdelay $0x3  }
0x5b: {  	s21 =	simm.s32 $0x0  }
0x5c: {  	v0 =	vmov s19;
	s22 =	simm.s32 $0x40;
	v2 =	vld.idx.msk [tilespmem:v1+s21+$0x1000 ss:$0x1], $0xffff  }
.LBB2_5:
0x5d: {  	p1 =	sne.s32 s22, $0x1C0;
	v3 =	vld.idx.msk [tilespmem:v1+s21+$0x0 ss:$0x1], $0xffff  }
0x5e: {  	v4 =	vld.idx.msk [tilespmem:v1+s21+$0x2000 ss:$0x1], $0xffff  }
0x5f: {  	v5 =	vld.idx.msk [tilespmem:v1+s21+$0x3000 ss:$0x1], $0xffff  }
0x60: {  	v6 =	vld.idx.msk [tilespmem:v1+s21+$0x4000 ss:$0x1], $0xffff  }
0x61: {  	v7 =	vld.idx.msk [tilespmem:v1+s21+$0x5000 ss:$0x1], $0xffff  }
0x62: {  	v8 =	vld.idx.msk [tilespmem:v1+s21+$0x6000 ss:$0x1], $0xffff  }
0x63: {  	v2 =	vmax.f32 v3, v2;
	v3 =	vld.idx.msk [tilespmem:v1+s21+$0x7000 ss:$0x1], $0xffff  }
0x64: {  	v2 =	vmax.f32 v2, v4;
	v4 =	vld.idx.msk [tilespmem:v1+s21+$0x8000 ss:$0x1], $0xffff  }
0x65: {  	v2 =	vmax.f32 v2, v5;
	v5 =	vld.idx.msk [tilespmem:v1+s21+$0x9000 ss:$0x1], $0xffff  }
0x66: {  	v2 =	vmax.f32 v2, v6;
	v6 =	vld.idx.msk [tilespmem:v1+s21+$0xA000 ss:$0x1], $0xffff  }
0x67: {  	v2 =	vmax.f32 v2, v7;
	v7 =	vld.idx.msk [tilespmem:v1+s21+$0xB000 ss:$0x1], $0xffff  }
0x68: {  	v2 =	vmax.f32 v2, v8;
	v8 =	vld.idx.msk [tilespmem:v1+s21+$0xC000 ss:$0x1], $0xffff  }
0x69: {  	v2 =	vmax.f32 v2, v3;
	v3 =	vld.idx.msk [tilespmem:v1+s21+$0xD000 ss:$0x1], $0xffff  }
0x6a: {  	v2 =	vmax.f32 v2, v4;
	v4 =	vld.idx.msk [tilespmem:v1+s21+$0xE000 ss:$0x1], $0xffff  }
0x6b: {  	v2 =	vmax.f32 v2, v5;
	v5 =	vld.idx.msk [tilespmem:v1+s21+$0xF000 ss:$0x1], $0xffff  }
0x6c: {  	v2 =	vmax.f32 v2, v6  }
0x6d: {  	v2 =	vmax.f32 v2, v7  }
0x6e: {  	v2 =	vmax.f32 v2, v8  }
.Ltmp0:
0x6f: {  	v2 =	vmax.f32 v2, v3;
	(pc) =	sbr.rel @p1 .LBB2_5-.Ltmp0, $4  }
0x70: {  	v2 =	vmax.f32 v2, v4  }
0x71: {  	v2 =	vmax.f32 v2, v5  }
0x72: {  	[tilespmem:v0+s21+$0x0 ss:$0x1] =	vst.idx.msk $0xffff, v2;
	s21 =	sshra.s32 s22, $0x2  }
0x73: {  	s22 =	sadd.s32 $0x40, s22;
	v2 =	vld.idx.msk [tilespmem:v1+s21+$0x1000 ss:$0x1], $0xffff  }
0x74: {  	_ =	sdelay $0x3  }
0x75: {  	v3 =	vld.idx.msk [tilespmem:v1+s21+$0x0 ss:$0x1], $0xffff  }
0x76: {  	v4 =	vld.idx.msk [tilespmem:v1+s21+$0x2000 ss:$0x1], $0xffff  }
0x77: {  	v5 =	vld.idx.msk [tilespmem:v1+s21+$0x3000 ss:$0x1], $0xffff  }
0x78: {  	v6 =	vld.idx.msk [tilespmem:v1+s21+$0x4000 ss:$0x1], $0xffff  }
0x79: {  	v7 =	vld.idx.msk [tilespmem:v1+s21+$0x5000 ss:$0x1], $0xffff  }
0x7a: {  	v8 =	vld.idx.msk [tilespmem:v1+s21+$0x6000 ss:$0x1], $0xffff;
	v2 =	vmax.f32 v3, v2  }
0x7b: {  	v55 =	vld.idx.msk [tilespmem:v1+s21+$0x7000 ss:$0x1], $0xffff;
	v2 =	vmax.f32 v2, v4  }
0x7c: {  	v56 =	vld.idx.msk [tilespmem:v1+s21+$0x8000 ss:$0x1], $0xffff;
	v2 =	vmax.f32 v2, v5  }
0x7d: {  	v57 =	vld.idx.msk [tilespmem:v1+s21+$0x9000 ss:$0x1], $0xffff;
	v2 =	vmax.f32 v2, v6  }
0x7e: {  	v58 =	vld.idx.msk [tilespmem:v1+s21+$0xA000 ss:$0x1], $0xffff;
	v2 =	vmax.f32 v2, v7  }
0x7f: {  	v59 =	vld.idx.msk [tilespmem:v1+s21+$0xB000 ss:$0x1], $0xffff;
	v2 =	vmax.f32 v2, v8  }
0x80: {  	v60 =	vld.idx.msk [tilespmem:v1+s21+$0xC000 ss:$0x1], $0xffff;
	v2 =	vmax.f32 v2, v55  }
0x81: {  	v61 =	vld.idx.msk [tilespmem:v1+s21+$0xD000 ss:$0x1], $0xffff;
	v2 =	vmax.f32 v2, v56  }
0x82: {  	v62 =	vld.idx.msk [tilespmem:v1+s21+$0xE000 ss:$0x1], $0xffff;
	v2 =	vmax.f32 v2, v57  }
0x83: {  	v63 =	vld.idx.msk [tilespmem:v1+s21+$0xF000 ss:$0x1], $0xffff;
	s20 =	sadd.s32 $0x1, s20;
	v2 =	vmax.f32 v2, v58  }
0x84: {  	p1 =	sne.s32 s20, $0x20;
	v2 =	vmax.f32 v2, v59  }
.Ltmp1:
0x85: {  	v2 =	vmax.f32 v2, v60;
	(pc) =	sbr.rel @p1 .LBB2_4-.Ltmp1, $4  }
0x86: {  	v2 =	vmax.f32 v2, v61  }
0x87: {  	v2 =	vmax.f32 v2, v62  }
0x88: {  	v1 =	vmax.f32 v2, v63  }
0x89: {  	s19 =	sadd.s32 $0x80, s19;
	s18 =	sadd.s32 $0x80, s18;
	[tilespmem:v0+s21+$0x0 ss:$0x1] =	vst.idx.msk $0xffff, v1  }
0x8a: {  	s18 =	sadd.s32 s16, s17;
	s17 =	sadd.s32 $0x1, s17  }
0x8b: {  	s18 =	sshll.u32 s18, $0x9;
	p1 =	sne.s32 s17, $0x4  }
.Ltmp2:
0x8c: {  	s18 =	sadd.s32 s2, s18;
	(pc) =	sbr.rel @p1 .LBB2_3-.Ltmp2, $4  }
0x8d: {  	[hbm4b:s18+s3] =	stream.linear.scatter [tilespmem:s14], [sflag:$0x2], $0x1000, $0x38;
	[tilespmem:$0x11A00] =	vst v63  }
0x8e: {  	_ =	swait.ge [sflag:s10], $0x1000  }
0x8f: {  	[sflag:s10] =	ssyncset.done $0x0  }
0x90: {  	[sflag:s10] =	ssyncadd.s32 $0xFFFFF000  }
.Ltmp3:
0x91: {  	(pc) =	sbr.rel @p0 .LBB2_2-.Ltmp3, $2  }
0x92: {  	_ =	sdelay $0x2  }
0x93: {  	s16 =	simm.s32 $0x4;
	p1 =	por $0x0, $0x0  }
0x94: {  	s15 =	sadd.s32 $0x1, s15  }
0x95: {  	p0 =	sne.s32 s15, s7  }
.Ltmp4:
0x96: {  	_ = 	snop;
	(pc) =	sbr.rel @p0 .LBB2_1-.Ltmp4, $1  }
0x97: {  	_ =	sdelay $0x3  }
0x98: {  	_ =	sfence.sel $0x180000  }
0x99: {  	[bflag:$0x0] =	sbarrier.arrive $0xFFFF  }
0x9a: {  	p0 =	sne.s32 s1, $0x0;
	_ =	strace $0x90000047  }
0x9b: {  	s0 =	sadd.s32 @!p0 $0x100000, s0;
	[bflag:$0x2] =	sbarrier.arrive $0xFFFF  }
0x9c: {  	[sflag:s0] =	ssyncadd.tile.s32 @!p0 $0x1;
	_ =	shalt  }
.Lfunc_end2:
_tile_overlayer_lowered:
.L_overlay_start_2:
0x9d: {  	(tag) =	ssettag $0x2  }
0x9e: {  	s0 =	rddreg [dreg:$0x0];
	s2 =	stileid.u32  }
0x9f: {  	s1 =	rddreg [dreg:$0x1];
	p0 =	sne.s32 s2, $0x0  }
0xa0: {  	s3 =	rddreg [dreg:$0x2];
	[bflag:$0x3] =	sbarrier.arrive $0xFFFF;
	s2 =	simm.s32 @!p0 $0x1C02  }
0xa1: {  	[timem:s3], [sflag:s2] =	dma.local @!p0 [hbm:s0], s1  }
0xa2: {  	s0 =	simm.s32 @!p0 $0x2  }
0xa3: {  	_ =	swait.ge @!p0 [sflag:s0], s1  }
0xa4: {  	s1 =	ssub.s32 @!p0 $0x0, s1;
	[sflag:s0] =	ssyncset.done @!p0 $0x0  }
0xa5: {  	[sflag:s0] =	ssyncadd.s32 @!p0 s1  }
0xa6: {  	[bflag:$0x3] =	sbarrier.arrive $0xFFFF  }
0xa7: {  	_ =	shalt  }

</sc_bundles>
